<compile_context>
chip_gen: v7x
topology: tpu7x:2x2x1
jax: 0.10.2.dev20260603
libtpu: 0.0.44.dev20260713+nightly
codegen_flags: <defaults>
</compile_context>

<pallas_src>
import jax
import jax.numpy as jnp
from jax import lax
from jax.experimental import pallas as pl
from jax.experimental.pallas import tpu as pltpu
from jax.experimental.pallas import tpu_sc as plsc

NC, NS, LANES = 2, 16, 16
NW = NC * NS
B, L, H = 4096, 50, 32
UPW = B // NW
IPW = UPW * L
NCHUNK = IPW // LANES


def _mf_body(user_hbm, item_hbm, target_hbm, uw_hbm, iw_hbm, ub_hbm, ib_hbm,
             bias_hbm, pred_hbm, loss_hbm,
             uidx_v, iidx_v, urows_v, ub_v, rows_v, ibv_v, tgt_v, pred_v,
             bias_v, acc_v, sem_u, sem_r, sem_b):
    wid = lax.axis_index("s") * NC + lax.axis_index("c")

    pltpu.sync_copy(user_hbm.at[wid], uidx_v)
    pltpu.sync_copy(item_hbm.at[wid], iidx_v)
    pltpu.sync_copy(target_hbm.at[wid], tgt_v)
    pltpu.sync_copy(bias_hbm, bias_v)
    pltpu.async_copy(uw_hbm.at[uidx_v], urows_v, sem_u).wait()
    pltpu.async_copy(ub_hbm.at[uidx_v], ub_v, sem_u).wait()

    iota = lax.iota(jnp.int32, LANES)
    zeros16 = jnp.zeros((LANES,), jnp.int32)
    nchunk_u = (L + LANES - 1) // LANES
    l_idx = [jnp.minimum(c * LANES + iota, L - 1) for c in range(nchunk_u)]

    def user_body(u, carry):
        cr = pltpu.async_copy(iw_hbm.at[iidx_v.at[u]], rows_v, sem_r)
        cb = pltpu.async_copy(ib_hbm.at[iidx_v.at[u]], ibv_v, sem_b)
        cr.wait()
        cb.wait()
        u16 = jnp.full((LANES,), u, jnp.int32)
        ubv = plsc.load_gather(ub_v, [u16])
        accs = [jnp.zeros((LANES,), jnp.float32)] * nchunk_u
        su = jnp.zeros((LANES,), jnp.float32)
        for hg in range(0, H, LANES):
            uhs = []
            for hh in range(LANES):
                h16 = jnp.full((LANES,), hg + hh, jnp.int32)
                uh = plsc.load_gather(urows_v, [u16, h16]) + ubv
                uhs.append(uh)
                su = su + uh
            for c in range(nchunk_u):
                for hh in range(LANES):
                    h16 = jnp.full((LANES,), hg + hh, jnp.int32)
                    col = plsc.load_gather(rows_v, [l_idx[c], h16])
                    accs[c] = accs[c] + uhs[hh] * col
        base_vec = u * L + iota
        for c in range(nchunk_u):
            ibv = plsc.load_gather(ibv_v, [l_idx[c]])
            predc = accs[c] + ibv * su
            valid = (c * LANES + iota) < L
            plsc.store_scatter(pred_v, [base_vec + c * LANES], predc,
                               mask=valid)
        return carry

    lax.fori_loop(0, UPW, user_body, 0)

    def loss_body(i, acc):
        off = pl.multiple_of(i * LANES, LANES)
        p = pred_v[pl.ds(off, LANES)] + bias_v[...]
        pred_v[pl.ds(off, LANES)] = p
        e = p - tgt_v[pl.ds(off, LANES)]
        return acc + e * e

    acc = lax.fori_loop(0, NCHUNK, loss_body, jnp.zeros((LANES,), jnp.float32))
    acc_v[...] = acc * (1.0 / (B * L))

    pltpu.sync_copy(pred_v, pred_hbm.at[wid])
    pltpu.sync_copy(acc_v, loss_hbm.at[wid])


@jax.jit
def _mf_sc(user_r, item_r, target_r, uw, iw, ub, ib, bias16):
    mesh = plsc.VectorSubcoreMesh(core_axis_name="c", subcore_axis_name="s",
                                  num_cores=NC, num_subcores=NS)
    f = pl.kernel(
        _mf_body,
        out_type=(jax.ShapeDtypeStruct((NW, IPW), jnp.float32),
                  jax.ShapeDtypeStruct((NW, LANES), jnp.float32)),
        mesh=mesh,
        compiler_params=pltpu.CompilerParams(needs_layout_passes=False,
                                             use_tc_tiling_on_sc=False),
        scratch_types=[
            pltpu.VMEM((UPW,), jnp.int32),
            pltpu.VMEM((UPW, L), jnp.int32),
            pltpu.VMEM((UPW, H), jnp.float32),
            pltpu.VMEM((UPW,), jnp.float32),
            pltpu.VMEM((L, H), jnp.float32),
            pltpu.VMEM((L,), jnp.float32),
            pltpu.VMEM((IPW,), jnp.float32),
            pltpu.VMEM((IPW,), jnp.float32),
            pltpu.VMEM((LANES,), jnp.float32),
            pltpu.VMEM((LANES,), jnp.float32),
            pltpu.SemaphoreType.DMA,
            pltpu.SemaphoreType.DMA,
            pltpu.SemaphoreType.DMA,
        ],
    )
    return f(user_r, item_r, target_r, uw, iw, ub, ib, bias16)


def kernel(user, item, target, user_weight, item_weight, user_bias, item_bias,
           bias):
    user_r = user.reshape(NW, UPW)
    item_r = item.reshape(NW, UPW, L)
    target_r = target.reshape(NW, IPW)
    bias16 = jnp.broadcast_to(bias, (LANES,))
    pred, lossp = _mf_sc(user_r, item_r, target_r, user_weight, item_weight,
                         user_bias.reshape(-1), item_bias.reshape(-1), bias16)
    return pred.reshape(B * L), jnp.sum(lossp)

# --- scband reference (transcript-rebuilt; emitter-appended) ---
"""Pipeline reference for scband-mf-73856257622285 (READ-ONLY COPY).

The authoritative reference and input builder live on the scoring server;
editing this copy changes nothing except your own understanding.
"""

import jax, jax.numpy as jnp
import numpy as np

NUM_USERS = 1000000
NUM_ITEMS = 1000000
HIDDEN = 32
B = 4096
L = 50


def setup_inputs(seed: int = 0) -> dict:
    key = jax.random.key(seed)
    k1, k2, k3, k4, k5 = jax.random.split(key, 5)
    user = jax.random.randint(k1, (B,), 0, NUM_USERS, dtype=jnp.int64 if jax.config.read('jax_enable_x64') else jnp.int32).astype(jnp.int32)
    item = jax.random.randint(k2, (B, L), 0, NUM_ITEMS).astype(jnp.int32)
    target = jax.random.uniform(k3, (B, L), dtype=jnp.float32)
    user_weight = 0.01 * jax.random.normal(k4, (NUM_USERS, HIDDEN), dtype=jnp.float32)
    item_weight = 0.01 * jax.random.normal(k5, (NUM_ITEMS, HIDDEN), dtype=jnp.float32)
    user_bias = jnp.zeros((NUM_USERS, 1), dtype=jnp.float32)
    item_bias = jnp.zeros((NUM_ITEMS, 1), dtype=jnp.float32)
    bias = jnp.zeros((1,), dtype=jnp.float32)
    return {
        'user': user,
        'item': item,
        'target': target,
        'user_weight': user_weight,
        'item_weight': item_weight,
        'user_bias': user_bias,
        'item_bias': item_bias,
        'bias': bias,
    }


def reference(user, item, target, user_weight, item_weight, user_bias, item_bias, bias):
    # user_embedding: user_weight(user) + user_bias(user)  (broadcast [B,H] + [B,1])
    u_emb = jnp.take(user_weight, user, axis=0) + jnp.take(user_bias, user, axis=0)  # [B, H]
    # item_embedding: item_weight(item) + item_bias(item)  (broadcast [B,L,H] + [B,L,1])
    i_emb = jnp.take(item_weight, item, axis=0) + jnp.take(item_bias, item, axis=0)  # [B, L, H]
    # per-user: user_emb [1,H] @ item_emb.T [H,L] -> [L], vectorized over batch
    pred = jnp.einsum('bh,blh->bl', u_emb, i_emb) + bias[0]  # [B, L]
    pred_flat = pred.reshape(-1)
    target_flat = target.reshape(-1)
    # loss_fn is MSE (typical for explicit-feedback MF)
    loss = jnp.mean((pred_flat - target_flat) ** 2)
    return pred_flat, loss

if __name__ == "__main__":
    import jax
    _d = setup_inputs()
    print(jax.jit(kernel)(*tuple(_d.values())))

</pallas_src>

<mosaic_0001>
#map = affine_map<(d0, d1) -> (0, 0)>
#map1 = affine_map<(d0, d1) -> (0, 0, 0)>
#map2 = affine_map<(d0, d1) -> (0)>
module attributes {stable_mosaic.version = 14 : i64} {
  func.func @_mf_body(%arg0: i32, %arg1: i32, %arg2: memref<32x128xi32, #tpu.memory_space<hbm>>, %arg3: memref<32x128x50xi32, #tpu.memory_space<hbm>>, %arg4: memref<32x6400xf32, #tpu.memory_space<hbm>>, %arg5: memref<1000000x32xf32, #tpu.memory_space<hbm>>, %arg6: memref<1000000x32xf32, #tpu.memory_space<hbm>>, %arg7: memref<1000000xf32, #tpu.memory_space<hbm>>, %arg8: memref<1000000xf32, #tpu.memory_space<hbm>>, %arg9: memref<16xf32, #tpu.memory_space<hbm>>, %arg10: memref<32x6400xf32, #tpu.memory_space<hbm>>, %arg11: memref<32x16xf32, #tpu.memory_space<hbm>>, %arg12: memref<128xi32, #tpu.memory_space<vmem>>, %arg13: memref<128x50xi32, #tpu.memory_space<vmem>>, %arg14: memref<128x32xf32, #tpu.memory_space<vmem>>, %arg15: memref<128xf32, #tpu.memory_space<vmem>>, %arg16: memref<50x32xf32, #tpu.memory_space<vmem>>, %arg17: memref<50xf32, #tpu.memory_space<vmem>>, %arg18: memref<6400xf32, #tpu.memory_space<vmem>>, %arg19: memref<6400xf32, #tpu.memory_space<vmem>>, %arg20: memref<16xf32, #tpu.memory_space<vmem>>, %arg21: memref<16xf32, #tpu.memory_space<vmem>>, %arg22: memref<!tpu.dma_semaphore, #tpu.memory_space<semaphore_mem>>, %arg23: memref<!tpu.dma_semaphore, #tpu.memory_space<semaphore_mem>>, %arg24: memref<!tpu.dma_semaphore, #tpu.memory_space<semaphore_mem>>) attributes {dimension_semantics = [#tpu.dimension_semantics<core_parallel>, #tpu.dimension_semantics<subcore_parallel>], iteration_bounds = array<i64: 2, 16>, scalar_prefetch = 0 : i64, scratch_operands = 13 : i64, tpu.core_type = #tpu.core_type<sc_vector_subcore>, window_params = [{transform_indices = #map}, {transform_indices = #map1}, {transform_indices = #map}, {transform_indices = #map}, {transform_indices = #map}, {transform_indices = #map2}, {transform_indices = #map2}, {transform_indices = #map2}, {transform_indices = #map}, {transform_indices = #map}]} {
    %mul3A = arith.constant 2 : i32
    %mul3A_0 = arith.muli %arg1, %mul3A : i32
    %add3A = arith.addi %mul3A_0, %arg0 : i32
    "tpu.region"() ({
      %run_scoped3A = tpu.sem_alloc : memref<!tpu.dma_semaphore, #tpu.memory_space<semaphore_mem>>
      %dma_start3A_50 = arith.constant 0 : i32
      %dma_start3A_51 = tpu.memref_slice %arg2[%add3A, %dma_start3A_50] : memref<32x128xi32, #tpu.memory_space<hbm>> -> memref<1x128xi32, #tpu.memory_space<hbm>>
      %dma_start3A_52 = tpu.memref_squeeze %dma_start3A_51 : memref<1x128xi32, #tpu.memory_space<hbm>> -> memref<128xi32, #tpu.memory_space<hbm>>
      %dma_start3A_53 = arith.constant 0 : i32
      %dma_start3A_54 = tpu.memref_slice %arg2[%add3A, %dma_start3A_53] : memref<32x128xi32, #tpu.memory_space<hbm>> -> memref<1x128xi32, #tpu.memory_space<hbm>>
      %dma_start3A_55 = tpu.memref_squeeze %dma_start3A_54 : memref<1x128xi32, #tpu.memory_space<hbm>> -> memref<128xi32, #tpu.memory_space<hbm>>
      tpu.enqueue_dma source(%dma_start3A_55 : memref<128xi32, #tpu.memory_space<hbm>>) target(%arg12 : memref<128xi32, #tpu.memory_space<vmem>>) target_semaphore(%run_scoped3A : memref<!tpu.dma_semaphore, #tpu.memory_space<semaphore_mem>>)
      %dma_wait3A_56 = arith.constant 0 : i32
      %dma_wait3A_57 = tpu.memref_slice %arg2[%add3A, %dma_wait3A_56] : memref<32x128xi32, #tpu.memory_space<hbm>> -> memref<1x128xi32, #tpu.memory_space<hbm>>
      %dma_wait3A_58 = tpu.memref_squeeze %dma_wait3A_57 : memref<1x128xi32, #tpu.memory_space<hbm>> -> memref<128xi32, #tpu.memory_space<hbm>>
      %dma_wait3A_59 = arith.constant 0 : i32
      %dma_wait3A_60 = tpu.memref_slice %arg2[%add3A, %dma_wait3A_59] : memref<32x128xi32, #tpu.memory_space<hbm>> -> memref<1x128xi32, #tpu.memory_space<hbm>>
      %dma_wait3A_61 = tpu.memref_squeeze %dma_wait3A_60 : memref<1x128xi32, #tpu.memory_space<hbm>> -> memref<128xi32, #tpu.memory_space<hbm>>
      tpu.wait_dma2 semaphore(%run_scoped3A : memref<!tpu.dma_semaphore, #tpu.memory_space<semaphore_mem>>) src(%dma_wait3A_61 : memref<128xi32, #tpu.memory_space<hbm>>) dst(%arg12 : memref<128xi32, #tpu.memory_space<vmem>>)
      tpu.yield
    }) : () -> ()
    "tpu.region"() ({
      %run_scoped3A = tpu.sem_alloc : memref<!tpu.dma_semaphore, #tpu.memory_space<semaphore_mem>>
      %dma_start3A_50 = arith.constant 0 : i32
      %dma_start3A_51 = arith.constant 0 : i32
      %dma_start3A_52 = tpu.memref_slice %arg3[%add3A, %dma_start3A_50, %dma_start3A_51] : memref<32x128x50xi32, #tpu.memory_space<hbm>> -> memref<1x128x50xi32, #tpu.memory_space<hbm>>
      %dma_start3A_53 = tpu.memref_squeeze %dma_start3A_52 : memref<1x128x50xi32, #tpu.memory_space<hbm>> -> memref<128x50xi32, #tpu.memory_space<hbm>>
      %dma_start3A_54 = arith.constant 0 : i32
      %dma_start3A_55 = arith.constant 0 : i32
      %dma_start3A_56 = tpu.memref_slice %arg3[%add3A, %dma_start3A_54, %dma_start3A_55] : memref<32x128x50xi32, #tpu.memory_space<hbm>> -> memref<1x128x50xi32, #tpu.memory_space<hbm>>
      %dma_start3A_57 = tpu.memref_squeeze %dma_start3A_56 : memref<1x128x50xi32, #tpu.memory_space<hbm>> -> memref<128x50xi32, #tpu.memory_space<hbm>>
      tpu.enqueue_dma source(%dma_start3A_57 : memref<128x50xi32, #tpu.memory_space<hbm>>) target(%arg13 : memref<128x50xi32, #tpu.memory_space<vmem>>) target_semaphore(%run_scoped3A : memref<!tpu.dma_semaphore, #tpu.memory_space<semaphore_mem>>)
      %dma_wait3A_58 = arith.constant 0 : i32
      %dma_wait3A_59 = arith.constant 0 : i32
      %dma_wait3A_60 = tpu.memref_slice %arg3[%add3A, %dma_wait3A_58, %dma_wait3A_59] : memref<32x128x50xi32, #tpu.memory_space<hbm>> -> memref<1x128x50xi32, #tpu.memory_space<hbm>>
      %dma_wait3A_61 = tpu.memref_squeeze %dma_wait3A_60 : memref<1x128x50xi32, #tpu.memory_space<hbm>> -> memref<128x50xi32, #tpu.memory_space<hbm>>
      %dma_wait3A_62 = arith.constant 0 : i32
      %dma_wait3A_63 = arith.constant 0 : i32
      %dma_wait3A_64 = tpu.memref_slice %arg3[%add3A, %dma_wait3A_62, %dma_wait3A_63] : memref<32x128x50xi32, #tpu.memory_space<hbm>> -> memref<1x128x50xi32, #tpu.memory_space<hbm>>
      %dma_wait3A_65 = tpu.memref_squeeze %dma_wait3A_64 : memref<1x128x50xi32, #tpu.memory_space<hbm>> -> memref<128x50xi32, #tpu.memory_space<hbm>>
      tpu.wait_dma2 semaphore(%run_scoped3A : memref<!tpu.dma_semaphore, #tpu.memory_space<semaphore_mem>>) src(%dma_wait3A_65 : memref<128x50xi32, #tpu.memory_space<hbm>>) dst(%arg13 : memref<128x50xi32, #tpu.memory_space<vmem>>)
      tpu.yield
    }) : () -> ()
    "tpu.region"() ({
      %run_scoped3A = tpu.sem_alloc : memref<!tpu.dma_semaphore, #tpu.memory_space<semaphore_mem>>
      %dma_start3A_50 = arith.constant 0 : i32
      %dma_start3A_51 = tpu.memref_slice %arg4[%add3A, %dma_start3A_50] : memref<32x6400xf32, #tpu.memory_space<hbm>> -> memref<1x6400xf32, #tpu.memory_space<hbm>>
      %dma_start3A_52 = tpu.memref_squeeze %dma_start3A_51 : memref<1x6400xf32, #tpu.memory_space<hbm>> -> memref<6400xf32, #tpu.memory_space<hbm>>
      %dma_start3A_53 = arith.constant 0 : i32
      %dma_start3A_54 = tpu.memref_slice %arg4[%add3A, %dma_start3A_53] : memref<32x6400xf32, #tpu.memory_space<hbm>> -> memref<1x6400xf32, #tpu.memory_space<hbm>>
      %dma_start3A_55 = tpu.memref_squeeze %dma_start3A_54 : memref<1x6400xf32, #tpu.memory_space<hbm>> -> memref<6400xf32, #tpu.memory_space<hbm>>
      tpu.enqueue_dma source(%dma_start3A_55 : memref<6400xf32, #tpu.memory_space<hbm>>) target(%arg18 : memref<6400xf32, #tpu.memory_space<vmem>>) target_semaphore(%run_scoped3A : memref<!tpu.dma_semaphore, #tpu.memory_space<semaphore_mem>>)
      %dma_wait3A_56 = arith.constant 0 : i32
      %dma_wait3A_57 = tpu.memref_slice %arg4[%add3A, %dma_wait3A_56] : memref<32x6400xf32, #tpu.memory_space<hbm>> -> memref<1x6400xf32, #tpu.memory_space<hbm>>
      %dma_wait3A_58 = tpu.memref_squeeze %dma_wait3A_57 : memref<1x6400xf32, #tpu.memory_space<hbm>> -> memref<6400xf32, #tpu.memory_space<hbm>>
      %dma_wait3A_59 = arith.constant 0 : i32
      %dma_wait3A_60 = tpu.memref_slice %arg4[%add3A, %dma_wait3A_59] : memref<32x6400xf32, #tpu.memory_space<hbm>> -> memref<1x6400xf32, #tpu.memory_space<hbm>>
      %dma_wait3A_61 = tpu.memref_squeeze %dma_wait3A_60 : memref<1x6400xf32, #tpu.memory_space<hbm>> -> memref<6400xf32, #tpu.memory_space<hbm>>
      tpu.wait_dma2 semaphore(%run_scoped3A : memref<!tpu.dma_semaphore, #tpu.memory_space<semaphore_mem>>) src(%dma_wait3A_61 : memref<6400xf32, #tpu.memory_space<hbm>>) dst(%arg18 : memref<6400xf32, #tpu.memory_space<vmem>>)
      tpu.yield
    }) : () -> ()
    "tpu.region"() ({
      %run_scoped3A = tpu.sem_alloc : memref<!tpu.dma_semaphore, #tpu.memory_space<semaphore_mem>>
      tpu.enqueue_dma source(%arg9 : memref<16xf32, #tpu.memory_space<hbm>>) target(%arg20 : memref<16xf32, #tpu.memory_space<vmem>>) target_semaphore(%run_scoped3A : memref<!tpu.dma_semaphore, #tpu.memory_space<semaphore_mem>>)
      tpu.wait_dma2 semaphore(%run_scoped3A : memref<!tpu.dma_semaphore, #tpu.memory_space<semaphore_mem>>) src(%arg9 : memref<16xf32, #tpu.memory_space<hbm>>) dst(%arg20 : memref<16xf32, #tpu.memory_space<vmem>>)
      tpu.yield
    }) : () -> ()
    %dma_start3A = arith.constant 0 : i32
    %dma_start3A_1 = arith.constant 0 : i32
    %dma_start3A_2 = tpu.memref_slice %arg5[%dma_start3A, %dma_start3A_1] : memref<1000000x32xf32, #tpu.memory_space<hbm>> -> memref<1000000x32xf32, #tpu.memory_space<hbm>>
    tpu.enqueue_indirect_dma source(%dma_start3A_2 : memref<1000000x32xf32, #tpu.memory_space<hbm>>) target(%arg14 : memref<128x32xf32, #tpu.memory_space<vmem>>) offsets(%arg12 : memref<128xi32, #tpu.memory_space<vmem>>) semaphore(%arg22 : memref<!tpu.dma_semaphore, #tpu.memory_space<semaphore_mem>>)
    %dma_wait3A = arith.constant 0 : i32
    %dma_wait3A_3 = arith.constant 0 : i32
    %dma_wait3A_4 = tpu.memref_slice %arg5[%dma_wait3A, %dma_wait3A_3] : memref<1000000x32xf32, #tpu.memory_space<hbm>> -> memref<1000000x32xf32, #tpu.memory_space<hbm>>
    tpu.wait_indirect_dma semaphore(%arg22 : memref<!tpu.dma_semaphore, #tpu.memory_space<semaphore_mem>>) src(%dma_wait3A_4 : memref<1000000x32xf32, #tpu.memory_space<hbm>>) dst(%arg14 : memref<128x32xf32, #tpu.memory_space<vmem>>)
    %dma_start3A_5 = arith.constant 0 : i32
    %dma_start3A_6 = tpu.memref_slice %arg7[%dma_start3A_5] : memref<1000000xf32, #tpu.memory_space<hbm>> -> memref<1000000xf32, #tpu.memory_space<hbm>>
    tpu.enqueue_indirect_dma source(%dma_start3A_6 : memref<1000000xf32, #tpu.memory_space<hbm>>) target(%arg15 : memref<128xf32, #tpu.memory_space<vmem>>) offsets(%arg12 : memref<128xi32, #tpu.memory_space<vmem>>) semaphore(%arg22 : memref<!tpu.dma_semaphore, #tpu.memory_space<semaphore_mem>>)
    %dma_wait3A_7 = arith.constant 0 : i32
    %dma_wait3A_8 = tpu.memref_slice %arg7[%dma_wait3A_7] : memref<1000000xf32, #tpu.memory_space<hbm>> -> memref<1000000xf32, #tpu.memory_space<hbm>>
    tpu.wait_indirect_dma semaphore(%arg22 : memref<!tpu.dma_semaphore, #tpu.memory_space<semaphore_mem>>) src(%dma_wait3A_8 : memref<1000000xf32, #tpu.memory_space<hbm>>) dst(%arg15 : memref<128xf32, #tpu.memory_space<vmem>>)
    %iota3A = tpu.iota {dimensions = array<i32: 0>} : vector<16xi32>
    %broadcast_in_dim3A = arith.constant 0 : i32
    %broadcast_in_dim3A_9 = vector.broadcast %broadcast_in_dim3A : i32 to vector<16xi32>
    %add3A_10 = arith.constant 0 : i32
    %add3A_11 = vector.broadcast %add3A_10 : i32 to vector<16xi32>
    %add3A_12 = arith.addi %add3A_11, %iota3A : vector<16xi32>
    %min3A = arith.constant 49 : i32
    %min3A_13 = vector.broadcast %min3A : i32 to vector<16xi32>
    %min3A_14 = arith.minsi %add3A_12, %min3A_13 : vector<16xi32>
    %add3A_15 = arith.constant 16 : i32
    %add3A_16 = vector.broadcast %add3A_15 : i32 to vector<16xi32>
    %add3A_17 = arith.addi %add3A_16, %iota3A : vector<16xi32>
    %min3A_18 = arith.constant 49 : i32
    %min3A_19 = vector.broadcast %min3A_18 : i32 to vector<16xi32>
    %min3A_20 = arith.minsi %add3A_17, %min3A_19 : vector<16xi32>
    %add3A_21 = arith.constant 32 : i32
    %add3A_22 = vector.broadcast %add3A_21 : i32 to vector<16xi32>
    %add3A_23 = arith.addi %add3A_22, %iota3A : vector<16xi32>
    %min3A_24 = arith.constant 49 : i32
    %min3A_25 = vector.broadcast %min3A_24 : i32 to vector<16xi32>
    %min3A_26 = arith.minsi %add3A_23, %min3A_25 : vector<16xi32>
    %add3A_27 = arith.constant 48 : i32
    %add3A_28 = vector.broadcast %add3A_27 : i32 to vector<16xi32>
    %add3A_29 = arith.addi %add3A_28, %iota3A : vector<16xi32>
    %min3A_30 = arith.constant 49 : i32
    %min3A_31 = vector.broadcast %min3A_30 : i32 to vector<16xi32>
    %min3A_32 = arith.minsi %add3A_29, %min3A_31 : vector<16xi32>
    %scan3A = arith.constant 0 : i32
    %scan3A_33 = arith.constant 0 : i32
    %scan3A_34 = arith.constant 128 : i32
    %scan3A_35 = arith.addi %scan3A_33, %scan3A_34 : i32
    %scan3A_36 = arith.constant 1 : i32
    scf.for %scan3A_50 = %scan3A_33 to %scan3A_35 step %scan3A_36  : i32 {
      %dma_start3A_51 = arith.constant 0 : i32
      %dma_start3A_52 = tpu.memref_slice %arg13[%scan3A_50, %dma_start3A_51] : memref<128x50xi32, #tpu.memory_space<vmem>> -> memref<1x50xi32, #tpu.memory_space<vmem>>
      %dma_start3A_53 = tpu.memref_squeeze %dma_start3A_52 : memref<1x50xi32, #tpu.memory_space<vmem>> -> memref<50xi32, #tpu.memory_space<vmem>>
      %dma_start3A_54 = arith.constant 0 : i32
      %dma_start3A_55 = arith.constant 0 : i32
      %dma_start3A_56 = tpu.memref_slice %arg6[%dma_start3A_54, %dma_start3A_55] : memref<1000000x32xf32, #tpu.memory_space<hbm>> -> memref<1000000x32xf32, #tpu.memory_space<hbm>>
      tpu.enqueue_indirect_dma source(%dma_start3A_56 : memref<1000000x32xf32, #tpu.memory_space<hbm>>) target(%arg16 : memref<50x32xf32, #tpu.memory_space<vmem>>) offsets(%dma_start3A_53 : memref<50xi32, #tpu.memory_space<vmem>>) semaphore(%arg23 : memref<!tpu.dma_semaphore, #tpu.memory_space<semaphore_mem>>)
      %dma_start3A_57 = arith.constant 0 : i32
      %dma_start3A_58 = tpu.memref_slice %arg13[%scan3A_50, %dma_start3A_57] : memref<128x50xi32, #tpu.memory_space<vmem>> -> memref<1x50xi32, #tpu.memory_space<vmem>>
      %dma_start3A_59 = tpu.memref_squeeze %dma_start3A_58 : memref<1x50xi32, #tpu.memory_space<vmem>> -> memref<50xi32, #tpu.memory_space<vmem>>
      %dma_start3A_60 = arith.constant 0 : i32
      %dma_start3A_61 = tpu.memref_slice %arg8[%dma_start3A_60] : memref<1000000xf32, #tpu.memory_space<hbm>> -> memref<1000000xf32, #tpu.memory_space<hbm>>
      tpu.enqueue_indirect_dma source(%dma_start3A_61 : memref<1000000xf32, #tpu.memory_space<hbm>>) target(%arg17 : memref<50xf32, #tpu.memory_space<vmem>>) offsets(%dma_start3A_59 : memref<50xi32, #tpu.memory_space<vmem>>) semaphore(%arg24 : memref<!tpu.dma_semaphore, #tpu.memory_space<semaphore_mem>>)
      %dma_wait3A_62 = arith.constant 0 : i32
      %dma_wait3A_63 = tpu.memref_slice %arg13[%scan3A_50, %dma_wait3A_62] : memref<128x50xi32, #tpu.memory_space<vmem>> -> memref<1x50xi32, #tpu.memory_space<vmem>>
      %dma_wait3A_64 = tpu.memref_squeeze %dma_wait3A_63 : memref<1x50xi32, #tpu.memory_space<vmem>> -> memref<50xi32, #tpu.memory_space<vmem>>
      %dma_wait3A_65 = arith.constant 0 : i32
      %dma_wait3A_66 = arith.constant 0 : i32
      %dma_wait3A_67 = tpu.memref_slice %arg6[%dma_wait3A_65, %dma_wait3A_66] : memref<1000000x32xf32, #tpu.memory_space<hbm>> -> memref<1000000x32xf32, #tpu.memory_space<hbm>>
      tpu.wait_indirect_dma semaphore(%arg23 : memref<!tpu.dma_semaphore, #tpu.memory_space<semaphore_mem>>) src(%dma_wait3A_67 : memref<1000000x32xf32, #tpu.memory_space<hbm>>) dst(%arg16 : memref<50x32xf32, #tpu.memory_space<vmem>>)
      %dma_wait3A_68 = arith.constant 0 : i32
      %dma_wait3A_69 = tpu.memref_slice %arg13[%scan3A_50, %dma_wait3A_68] : memref<128x50xi32, #tpu.memory_space<vmem>> -> memref<1x50xi32, #tpu.memory_space<vmem>>
      %dma_wait3A_70 = tpu.memref_squeeze %dma_wait3A_69 : memref<1x50xi32, #tpu.memory_space<vmem>> -> memref<50xi32, #tpu.memory_space<vmem>>
      %dma_wait3A_71 = arith.constant 0 : i32
      %dma_wait3A_72 = tpu.memref_slice %arg8[%dma_wait3A_71] : memref<1000000xf32, #tpu.memory_space<hbm>> -> memref<1000000xf32, #tpu.memory_space<hbm>>
      tpu.wait_indirect_dma semaphore(%arg24 : memref<!tpu.dma_semaphore, #tpu.memory_space<semaphore_mem>>) src(%dma_wait3A_72 : memref<1000000xf32, #tpu.memory_space<hbm>>) dst(%arg17 : memref<50xf32, #tpu.memory_space<vmem>>)
      %broadcast_in_dim3A_73 = vector.broadcast %scan3A_50 : i32 to vector<16xi32>
      %gather3A = tpu.vector_load_idx %arg15[%broadcast_in_dim3A_73] : memref<128xf32, #tpu.memory_space<vmem>>[vector<16xi32>], vector<16xf32>,
      %broadcast_in_dim3A_74 = arith.constant 0.000000e+00 : f32
      %broadcast_in_dim3A_75 = vector.broadcast %broadcast_in_dim3A_74 : f32 to vector<16xf32>
      %broadcast_in_dim3A_76 = arith.constant 0.000000e+00 : f32
      %broadcast_in_dim3A_77 = vector.broadcast %broadcast_in_dim3A_76 : f32 to vector<16xf32>
      %broadcast_in_dim3A_78 = arith.constant 0 : i32
      %broadcast_in_dim3A_79 = vector.broadcast %broadcast_in_dim3A_78 : i32 to vector<16xi32>
      %gather3A_80 = tpu.vector_load_idx %arg14[%broadcast_in_dim3A_73, %broadcast_in_dim3A_79] : memref<128x32xf32, #tpu.memory_space<vmem>>[vector<16xi32>, vector<16xi32>], vector<16xf32>,
      %add3A_81 = arith.addf %gather3A_80, %gather3A : vector<16xf32>
      %add3A_82 = arith.addf %broadcast_in_dim3A_77, %add3A_81 : vector<16xf32>
      %broadcast_in_dim3A_83 = arith.constant 1 : i32
      %broadcast_in_dim3A_84 = vector.broadcast %broadcast_in_dim3A_83 : i32 to vector<16xi32>
      %gather3A_85 = tpu.vector_load_idx %arg14[%broadcast_in_dim3A_73, %broadcast_in_dim3A_84] : memref<128x32xf32, #tpu.memory_space<vmem>>[vector<16xi32>, vector<16xi32>], vector<16xf32>,
      %add3A_86 = arith.addf %gather3A_85, %gather3A : vector<16xf32>
      %add3A_87 = arith.addf %add3A_82, %add3A_86 : vector<16xf32>
      %broadcast_in_dim3A_88 = arith.constant 2 : i32
      %broadcast_in_dim3A_89 = vector.broadcast %broadcast_in_dim3A_88 : i32 to vector<16xi32>
      %gather3A_90 = tpu.vector_load_idx %arg14[%broadcast_in_dim3A_73, %broadcast_in_dim3A_89] : memref<128x32xf32, #tpu.memory_space<vmem>>[vector<16xi32>, vector<16xi32>], vector<16xf32>,
      %add3A_91 = arith.addf %gather3A_90, %gather3A : vector<16xf32>
      %add3A_92 = arith.addf %add3A_87, %add3A_91 : vector<16xf32>
      %broadcast_in_dim3A_93 = arith.constant 3 : i32
      %broadcast_in_dim3A_94 = vector.broadcast %broadcast_in_dim3A_93 : i32 to vector<16xi32>
      %gather3A_95 = tpu.vector_load_idx %arg14[%broadcast_in_dim3A_73, %broadcast_in_dim3A_94] : memref<128x32xf32, #tpu.memory_space<vmem>>[vector<16xi32>, vector<16xi32>], vector<16xf32>,
      %add3A_96 = arith.addf %gather3A_95, %gather3A : vector<16xf32>
      %add3A_97 = arith.addf %add3A_92, %add3A_96 : vector<16xf32>
      %broadcast_in_dim3A_98 = arith.constant 4 : i32
      %broadcast_in_dim3A_99 = vector.broadcast %broadcast_in_dim3A_98 : i32 to vector<16xi32>
      %gather3A_100 = tpu.vector_load_idx %arg14[%broadcast_in_dim3A_73, %broadcast_in_dim3A_99] : memref<128x32xf32, #tpu.memory_space<vmem>>[vector<16xi32>, vector<16xi32>], vector<16xf32>,
      %add3A_101 = arith.addf %gather3A_100, %gather3A : vector<16xf32>
      %add3A_102 = arith.addf %add3A_97, %add3A_101 : vector<16xf32>
      %broadcast_in_dim3A_103 = arith.constant 5 : i32
      %broadcast_in_dim3A_104 = vector.broadcast %broadcast_in_dim3A_103 : i32 to vector<16xi32>
      %gather3A_105 = tpu.vector_load_idx %arg14[%broadcast_in_dim3A_73, %broadcast_in_dim3A_104] : memref<128x32xf32, #tpu.memory_space<vmem>>[vector<16xi32>, vector<16xi32>], vector<16xf32>,
      %add3A_106 = arith.addf %gather3A_105, %gather3A : vector<16xf32>
      %add3A_107 = arith.addf %add3A_102, %add3A_106 : vector<16xf32>
      %broadcast_in_dim3A_108 = arith.constant 6 : i32
      %broadcast_in_dim3A_109 = vector.broadcast %broadcast_in_dim3A_108 : i32 to vector<16xi32>
      %gather3A_110 = tpu.vector_load_idx %arg14[%broadcast_in_dim3A_73, %broadcast_in_dim3A_109] : memref<128x32xf32, #tpu.memory_space<vmem>>[vector<16xi32>, vector<16xi32>], vector<16xf32>,
      %add3A_111 = arith.addf %gather3A_110, %gather3A : vector<16xf32>
      %add3A_112 = arith.addf %add3A_107, %add3A_111 : vector<16xf32>
      %broadcast_in_dim3A_113 = arith.constant 7 : i32
      %broadcast_in_dim3A_114 = vector.broadcast %broadcast_in_dim3A_113 : i32 to vector<16xi32>
      %gather3A_115 = tpu.vector_load_idx %arg14[%broadcast_in_dim3A_73, %broadcast_in_dim3A_114] : memref<128x32xf32, #tpu.memory_space<vmem>>[vector<16xi32>, vector<16xi32>], vector<16xf32>,
      %add3A_116 = arith.addf %gather3A_115, %gather3A : vector<16xf32>
      %add3A_117 = arith.addf %add3A_112, %add3A_116 : vector<16xf32>
      %broadcast_in_dim3A_118 = arith.constant 8 : i32
      %broadcast_in_dim3A_119 = vector.broadcast %broadcast_in_dim3A_118 : i32 to vector<16xi32>
      %gather3A_120 = tpu.vector_load_idx %arg14[%broadcast_in_dim3A_73, %broadcast_in_dim3A_119] : memref<128x32xf32, #tpu.memory_space<vmem>>[vector<16xi32>, vector<16xi32>], vector<16xf32>,
      %add3A_121 = arith.addf %gather3A_120, %gather3A : vector<16xf32>
      %add3A_122 = arith.addf %add3A_117, %add3A_121 : vector<16xf32>
      %broadcast_in_dim3A_123 = arith.constant 9 : i32
      %broadcast_in_dim3A_124 = vector.broadcast %broadcast_in_dim3A_123 : i32 to vector<16xi32>
      %gather3A_125 = tpu.vector_load_idx %arg14[%broadcast_in_dim3A_73, %broadcast_in_dim3A_124] : memref<128x32xf32, #tpu.memory_space<vmem>>[vector<16xi32>, vector<16xi32>], vector<16xf32>,
      %add3A_126 = arith.addf %gather3A_125, %gather3A : vector<16xf32>
      %add3A_127 = arith.addf %add3A_122, %add3A_126 : vector<16xf32>
      %broadcast_in_dim3A_128 = arith.constant 10 : i32
      %broadcast_in_dim3A_129 = vector.broadcast %broadcast_in_dim3A_128 : i32 to vector<16xi32>
      %gather3A_130 = tpu.vector_load_idx %arg14[%broadcast_in_dim3A_73, %broadcast_in_dim3A_129] : memref<128x32xf32, #tpu.memory_space<vmem>>[vector<16xi32>, vector<16xi32>], vector<16xf32>,
      %add3A_131 = arith.addf %gather3A_130, %gather3A : vector<16xf32>
      %add3A_132 = arith.addf %add3A_127, %add3A_131 : vector<16xf32>
      %broadcast_in_dim3A_133 = arith.constant 11 : i32
      %broadcast_in_dim3A_134 = vector.broadcast %broadcast_in_dim3A_133 : i32 to vector<16xi32>
      %gather3A_135 = tpu.vector_load_idx %arg14[%broadcast_in_dim3A_73, %broadcast_in_dim3A_134] : memref<128x32xf32, #tpu.memory_space<vmem>>[vector<16xi32>, vector<16xi32>], vector<16xf32>,
      %add3A_136 = arith.addf %gather3A_135, %gather3A : vector<16xf32>
      %add3A_137 = arith.addf %add3A_132, %add3A_136 : vector<16xf32>
      %broadcast_in_dim3A_138 = arith.constant 12 : i32
      %broadcast_in_dim3A_139 = vector.broadcast %broadcast_in_dim3A_138 : i32 to vector<16xi32>
      %gather3A_140 = tpu.vector_load_idx %arg14[%broadcast_in_dim3A_73, %broadcast_in_dim3A_139] : memref<128x32xf32, #tpu.memory_space<vmem>>[vector<16xi32>, vector<16xi32>], vector<16xf32>,
      %add3A_141 = arith.addf %gather3A_140, %gather3A : vector<16xf32>
      %add3A_142 = arith.addf %add3A_137, %add3A_141 : vector<16xf32>
      %broadcast_in_dim3A_143 = arith.constant 13 : i32
      %broadcast_in_dim3A_144 = vector.broadcast %broadcast_in_dim3A_143 : i32 to vector<16xi32>
      %gather3A_145 = tpu.vector_load_idx %arg14[%broadcast_in_dim3A_73, %broadcast_in_dim3A_144] : memref<128x32xf32, #tpu.memory_space<vmem>>[vector<16xi32>, vector<16xi32>], vector<16xf32>,
      %add3A_146 = arith.addf %gather3A_145, %gather3A : vector<16xf32>
      %add3A_147 = arith.addf %add3A_142, %add3A_146 : vector<16xf32>
      %broadcast_in_dim3A_148 = arith.constant 14 : i32
      %broadcast_in_dim3A_149 = vector.broadcast %broadcast_in_dim3A_148 : i32 to vector<16xi32>
      %gather3A_150 = tpu.vector_load_idx %arg14[%broadcast_in_dim3A_73, %broadcast_in_dim3A_149] : memref<128x32xf32, #tpu.memory_space<vmem>>[vector<16xi32>, vector<16xi32>], vector<16xf32>,
      %add3A_151 = arith.addf %gather3A_150, %gather3A : vector<16xf32>
      %add3A_152 = arith.addf %add3A_147, %add3A_151 : vector<16xf32>
      %broadcast_in_dim3A_153 = arith.constant 15 : i32
      %broadcast_in_dim3A_154 = vector.broadcast %broadcast_in_dim3A_153 : i32 to vector<16xi32>
      %gather3A_155 = tpu.vector_load_idx %arg14[%broadcast_in_dim3A_73, %broadcast_in_dim3A_154] : memref<128x32xf32, #tpu.memory_space<vmem>>[vector<16xi32>, vector<16xi32>], vector<16xf32>,
      %add3A_156 = arith.addf %gather3A_155, %gather3A : vector<16xf32>
      %add3A_157 = arith.addf %add3A_152, %add3A_156 : vector<16xf32>
      %broadcast_in_dim3A_158 = arith.constant 0 : i32
      %broadcast_in_dim3A_159 = vector.broadcast %broadcast_in_dim3A_158 : i32 to vector<16xi32>
      %gather3A_160 = tpu.vector_load_idx %arg16[%min3A_14, %broadcast_in_dim3A_159] : memref<50x32xf32, #tpu.memory_space<vmem>>[vector<16xi32>, vector<16xi32>], vector<16xf32>,
      %mul3A_161 = arith.mulf %add3A_81, %gather3A_160 : vector<16xf32>
      %add3A_162 = arith.addf %broadcast_in_dim3A_75, %mul3A_161 : vector<16xf32>
      %broadcast_in_dim3A_163 = arith.constant 1 : i32
      %broadcast_in_dim3A_164 = vector.broadcast %broadcast_in_dim3A_163 : i32 to vector<16xi32>
      %gather3A_165 = tpu.vector_load_idx %arg16[%min3A_14, %broadcast_in_dim3A_164] : memref<50x32xf32, #tpu.memory_space<vmem>>[vector<16xi32>, vector<16xi32>], vector<16xf32>,
      %mul3A_166 = arith.mulf %add3A_86, %gather3A_165 : vector<16xf32>
      %add3A_167 = arith.addf %add3A_162, %mul3A_166 : vector<16xf32>
      %broadcast_in_dim3A_168 = arith.constant 2 : i32
      %broadcast_in_dim3A_169 = vector.broadcast %broadcast_in_dim3A_168 : i32 to vector<16xi32>
      %gather3A_170 = tpu.vector_load_idx %arg16[%min3A_14, %broadcast_in_dim3A_169] : memref<50x32xf32, #tpu.memory_space<vmem>>[vector<16xi32>, vector<16xi32>], vector<16xf32>,
      %mul3A_171 = arith.mulf %add3A_91, %gather3A_170 : vector<16xf32>
      %add3A_172 = arith.addf %add3A_167, %mul3A_171 : vector<16xf32>
      %broadcast_in_dim3A_173 = arith.constant 3 : i32
      %broadcast_in_dim3A_174 = vector.broadcast %broadcast_in_dim3A_173 : i32 to vector<16xi32>
      %gather3A_175 = tpu.vector_load_idx %arg16[%min3A_14, %broadcast_in_dim3A_174] : memref<50x32xf32, #tpu.memory_space<vmem>>[vector<16xi32>, vector<16xi32>], vector<16xf32>,
      %mul3A_176 = arith.mulf %add3A_96, %gather3A_175 : vector<16xf32>
      %add3A_177 = arith.addf %add3A_172, %mul3A_176 : vector<16xf32>
      %broadcast_in_dim3A_178 = arith.constant 4 : i32
      %broadcast_in_dim3A_179 = vector.broadcast %broadcast_in_dim3A_178 : i32 to vector<16xi32>
      %gather3A_180 = tpu.vector_load_idx %arg16[%min3A_14, %broadcast_in_dim3A_179] : memref<50x32xf32, #tpu.memory_space<vmem>>[vector<16xi32>, vector<16xi32>], vector<16xf32>,
      %mul3A_181 = arith.mulf %add3A_101, %gather3A_180 : vector<16xf32>
      %add3A_182 = arith.addf %add3A_177, %mul3A_181 : vector<16xf32>
      %broadcast_in_dim3A_183 = arith.constant 5 : i32
      %broadcast_in_dim3A_184 = vector.broadcast %broadcast_in_dim3A_183 : i32 to vector<16xi32>
      %gather3A_185 = tpu.vector_load_idx %arg16[%min3A_14, %broadcast_in_dim3A_184] : memref<50x32xf32, #tpu.memory_space<vmem>>[vector<16xi32>, vector<16xi32>], vector<16xf32>,
      %mul3A_186 = arith.mulf %add3A_106, %gather3A_185 : vector<16xf32>
      %add3A_187 = arith.addf %add3A_182, %mul3A_186 : vector<16xf32>
      %broadcast_in_dim3A_188 = arith.constant 6 : i32
      %broadcast_in_dim3A_189 = vector.broadcast %broadcast_in_dim3A_188 : i32 to vector<16xi32>
      %gather3A_190 = tpu.vector_load_idx %arg16[%min3A_14, %broadcast_in_dim3A_189] : memref<50x32xf32, #tpu.memory_space<vmem>>[vector<16xi32>, vector<16xi32>], vector<16xf32>,
      %mul3A_191 = arith.mulf %add3A_111, %gather3A_190 : vector<16xf32>
      %add3A_192 = arith.addf %add3A_187, %mul3A_191 : vector<16xf32>
      %broadcast_in_dim3A_193 = arith.constant 7 : i32
      %broadcast_in_dim3A_194 = vector.broadcast %broadcast_in_dim3A_193 : i32 to vector<16xi32>
      %gather3A_195 = tpu.vector_load_idx %arg16[%min3A_14, %broadcast_in_dim3A_194] : memref<50x32xf32, #tpu.memory_space<vmem>>[vector<16xi32>, vector<16xi32>], vector<16xf32>,
      %mul3A_196 = arith.mulf %add3A_116, %gather3A_195 : vector<16xf32>
      %add3A_197 = arith.addf %add3A_192, %mul3A_196 : vector<16xf32>
      %broadcast_in_dim3A_198 = arith.constant 8 : i32
      %broadcast_in_dim3A_199 = vector.broadcast %broadcast_in_dim3A_198 : i32 to vector<16xi32>
      %gather3A_200 = tpu.vector_load_idx %arg16[%min3A_14, %broadcast_in_dim3A_199] : memref<50x32xf32, #tpu.memory_space<vmem>>[vector<16xi32>, vector<16xi32>], vector<16xf32>,
      %mul3A_201 = arith.mulf %add3A_121, %gather3A_200 : vector<16xf32>
      %add3A_202 = arith.addf %add3A_197, %mul3A_201 : vector<16xf32>
      %broadcast_in_dim3A_203 = arith.constant 9 : i32
      %broadcast_in_dim3A_204 = vector.broadcast %broadcast_in_dim3A_203 : i32 to vector<16xi32>
      %gather3A_205 = tpu.vector_load_idx %arg16[%min3A_14, %broadcast_in_dim3A_204] : memref<50x32xf32, #tpu.memory_space<vmem>>[vector<16xi32>, vector<16xi32>], vector<16xf32>,
      %mul3A_206 = arith.mulf %add3A_126, %gather3A_205 : vector<16xf32>
      %add3A_207 = arith.addf %add3A_202, %mul3A_206 : vector<16xf32>
      %broadcast_in_dim3A_208 = arith.constant 10 : i32
      %broadcast_in_dim3A_209 = vector.broadcast %broadcast_in_dim3A_208 : i32 to vector<16xi32>
      %gather3A_210 = tpu.vector_load_idx %arg16[%min3A_14, %broadcast_in_dim3A_209] : memref<50x32xf32, #tpu.memory_space<vmem>>[vector<16xi32>, vector<16xi32>], vector<16xf32>,
      %mul3A_211 = arith.mulf %add3A_131, %gather3A_210 : vector<16xf32>
      %add3A_212 = arith.addf %add3A_207, %mul3A_211 : vector<16xf32>
      %broadcast_in_dim3A_213 = arith.constant 11 : i32
      %broadcast_in_dim3A_214 = vector.broadcast %broadcast_in_dim3A_213 : i32 to vector<16xi32>
      %gather3A_215 = tpu.vector_load_idx %arg16[%min3A_14, %broadcast_in_dim3A_214] : memref<50x32xf32, #tpu.memory_space<vmem>>[vector<16xi32>, vector<16xi32>], vector<16xf32>,
      %mul3A_216 = arith.mulf %add3A_136, %gather3A_215 : vector<16xf32>
      %add3A_217 = arith.addf %add3A_212, %mul3A_216 : vector<16xf32>
      %broadcast_in_dim3A_218 = arith.constant 12 : i32
      %broadcast_in_dim3A_219 = vector.broadcast %broadcast_in_dim3A_218 : i32 to vector<16xi32>
      %gather3A_220 = tpu.vector_load_idx %arg16[%min3A_14, %broadcast_in_dim3A_219] : memref<50x32xf32, #tpu.memory_space<vmem>>[vector<16xi32>, vector<16xi32>], vector<16xf32>,
      %mul3A_221 = arith.mulf %add3A_141, %gather3A_220 : vector<16xf32>
      %add3A_222 = arith.addf %add3A_217, %mul3A_221 : vector<16xf32>
      %broadcast_in_dim3A_223 = arith.constant 13 : i32
      %broadcast_in_dim3A_224 = vector.broadcast %broadcast_in_dim3A_223 : i32 to vector<16xi32>
      %gather3A_225 = tpu.vector_load_idx %arg16[%min3A_14, %broadcast_in_dim3A_224] : memref<50x32xf32, #tpu.memory_space<vmem>>[vector<16xi32>, vector<16xi32>], vector<16xf32>,
      %mul3A_226 = arith.mulf %add3A_146, %gather3A_225 : vector<16xf32>
      %add3A_227 = arith.addf %add3A_222, %mul3A_226 : vector<16xf32>
      %broadcast_in_dim3A_228 = arith.constant 14 : i32
      %broadcast_in_dim3A_229 = vector.broadcast %broadcast_in_dim3A_228 : i32 to vector<16xi32>
      %gather3A_230 = tpu.vector_load_idx %arg16[%min3A_14, %broadcast_in_dim3A_229] : memref<50x32xf32, #tpu.memory_space<vmem>>[vector<16xi32>, vector<16xi32>], vector<16xf32>,
      %mul3A_231 = arith.mulf %add3A_151, %gather3A_230 : vector<16xf32>
      %add3A_232 = arith.addf %add3A_227, %mul3A_231 : vector<16xf32>
      %broadcast_in_dim3A_233 = arith.constant 15 : i32
      %broadcast_in_dim3A_234 = vector.broadcast %broadcast_in_dim3A_233 : i32 to vector<16xi32>
      %gather3A_235 = tpu.vector_load_idx %arg16[%min3A_14, %broadcast_in_dim3A_234] : memref<50x32xf32, #tpu.memory_space<vmem>>[vector<16xi32>, vector<16xi32>], vector<16xf32>,
      %mul3A_236 = arith.mulf %add3A_156, %gather3A_235 : vector<16xf32>
      %add3A_237 = arith.addf %add3A_232, %mul3A_236 : vector<16xf32>
      %broadcast_in_dim3A_238 = arith.constant 0 : i32
      %broadcast_in_dim3A_239 = vector.broadcast %broadcast_in_dim3A_238 : i32 to vector<16xi32>
      %gather3A_240 = tpu.vector_load_idx %arg16[%min3A_20, %broadcast_in_dim3A_239] : memref<50x32xf32, #tpu.memory_space<vmem>>[vector<16xi32>, vector<16xi32>], vector<16xf32>,
      %mul3A_241 = arith.mulf %add3A_81, %gather3A_240 : vector<16xf32>
      %add3A_242 = arith.addf %broadcast_in_dim3A_75, %mul3A_241 : vector<16xf32>
      %broadcast_in_dim3A_243 = arith.constant 1 : i32
      %broadcast_in_dim3A_244 = vector.broadcast %broadcast_in_dim3A_243 : i32 to vector<16xi32>
      %gather3A_245 = tpu.vector_load_idx %arg16[%min3A_20, %broadcast_in_dim3A_244] : memref<50x32xf32, #tpu.memory_space<vmem>>[vector<16xi32>, vector<16xi32>], vector<16xf32>,
      %mul3A_246 = arith.mulf %add3A_86, %gather3A_245 : vector<16xf32>
      %add3A_247 = arith.addf %add3A_242, %mul3A_246 : vector<16xf32>
      %broadcast_in_dim3A_248 = arith.constant 2 : i32
      %broadcast_in_dim3A_249 = vector.broadcast %broadcast_in_dim3A_248 : i32 to vector<16xi32>
      %gather3A_250 = tpu.vector_load_idx %arg16[%min3A_20, %broadcast_in_dim3A_249] : memref<50x32xf32, #tpu.memory_space<vmem>>[vector<16xi32>, vector<16xi32>], vector<16xf32>,
      %mul3A_251 = arith.mulf %add3A_91, %gather3A_250 : vector<16xf32>
      %add3A_252 = arith.addf %add3A_247, %mul3A_251 : vector<16xf32>
      %broadcast_in_dim3A_253 = arith.constant 3 : i32
      %broadcast_in_dim3A_254 = vector.broadcast %broadcast_in_dim3A_253 : i32 to vector<16xi32>
      %gather3A_255 = tpu.vector_load_idx %arg16[%min3A_20, %broadcast_in_dim3A_254] : memref<50x32xf32, #tpu.memory_space<vmem>>[vector<16xi32>, vector<16xi32>], vector<16xf32>,
      %mul3A_256 = arith.mulf %add3A_96, %gather3A_255 : vector<16xf32>
      %add3A_257 = arith.addf %add3A_252, %mul3A_256 : vector<16xf32>
      %broadcast_in_dim3A_258 = arith.constant 4 : i32
      %broadcast_in_dim3A_259 = vector.broadcast %broadcast_in_dim3A_258 : i32 to vector<16xi32>
      %gather3A_260 = tpu.vector_load_idx %arg16[%min3A_20, %broadcast_in_dim3A_259] : memref<50x32xf32, #tpu.memory_space<vmem>>[vector<16xi32>, vector<16xi32>], vector<16xf32>,
      %mul3A_261 = arith.mulf %add3A_101, %gather3A_260 : vector<16xf32>
      %add3A_262 = arith.addf %add3A_257, %mul3A_261 : vector<16xf32>
      %broadcast_in_dim3A_263 = arith.constant 5 : i32
      %broadcast_in_dim3A_264 = vector.broadcast %broadcast_in_dim3A_263 : i32 to vector<16xi32>
      %gather3A_265 = tpu.vector_load_idx %arg16[%min3A_20, %broadcast_in_dim3A_264] : memref<50x32xf32, #tpu.memory_space<vmem>>[vector<16xi32>, vector<16xi32>], vector<16xf32>,
      %mul3A_266 = arith.mulf %add3A_106, %gather3A_265 : vector<16xf32>
      %add3A_267 = arith.addf %add3A_262, %mul3A_266 : vector<16xf32>
      %broadcast_in_dim3A_268 = arith.constant 6 : i32
      %broadcast_in_dim3A_269 = vector.broadcast %broadcast_in_dim3A_268 : i32 to vector<16xi32>
      %gather3A_270 = tpu.vector_load_idx %arg16[%min3A_20, %broadcast_in_dim3A_269] : memref<50x32xf32, #tpu.memory_space<vmem>>[vector<16xi32>, vector<16xi32>], vector<16xf32>,
      %mul3A_271 = arith.mulf %add3A_111, %gather3A_270 : vector<16xf32>
      %add3A_272 = arith.addf %add3A_267, %mul3A_271 : vector<16xf32>
      %broadcast_in_dim3A_273 = arith.constant 7 : i32
      %broadcast_in_dim3A_274 = vector.broadcast %broadcast_in_dim3A_273 : i32 to vector<16xi32>
      %gather3A_275 = tpu.vector_load_idx %arg16[%min3A_20, %broadcast_in_dim3A_274] : memref<50x32xf32, #tpu.memory_space<vmem>>[vector<16xi32>, vector<16xi32>], vector<16xf32>,
      %mul3A_276 = arith.mulf %add3A_116, %gather3A_275 : vector<16xf32>
      %add3A_277 = arith.addf %add3A_272, %mul3A_276 : vector<16xf32>
      %broadcast_in_dim3A_278 = arith.constant 8 : i32
      %broadcast_in_dim3A_279 = vector.broadcast %broadcast_in_dim3A_278 : i32 to vector<16xi32>
      %gather3A_280 = tpu.vector_load_idx %arg16[%min3A_20, %broadcast_in_dim3A_279] : memref<50x32xf32, #tpu.memory_space<vmem>>[vector<16xi32>, vector<16xi32>], vector<16xf32>,
      %mul3A_281 = arith.mulf %add3A_121, %gather3A_280 : vector<16xf32>
      %add3A_282 = arith.addf %add3A_277, %mul3A_281 : vector<16xf32>
      %broadcast_in_dim3A_283 = arith.constant 9 : i32
      %broadcast_in_dim3A_284 = vector.broadcast %broadcast_in_dim3A_283 : i32 to vector<16xi32>
      %gather3A_285 = tpu.vector_load_idx %arg16[%min3A_20, %broadcast_in_dim3A_284] : memref<50x32xf32, #tpu.memory_space<vmem>>[vector<16xi32>, vector<16xi32>], vector<16xf32>,
      %mul3A_286 = arith.mulf %add3A_126, %gather3A_285 : vector<16xf32>
      %add3A_287 = arith.addf %add3A_282, %mul3A_286 : vector<16xf32>
      %broadcast_in_dim3A_288 = arith.constant 10 : i32
      %broadcast_in_dim3A_289 = vector.broadcast %broadcast_in_dim3A_288 : i32 to vector<16xi32>
      %gather3A_290 = tpu.vector_load_idx %arg16[%min3A_20, %broadcast_in_dim3A_289] : memref<50x32xf32, #tpu.memory_space<vmem>>[vector<16xi32>, vector<16xi32>], vector<16xf32>,
      %mul3A_291 = arith.mulf %add3A_131, %gather3A_290 : vector<16xf32>
      %add3A_292 = arith.addf %add3A_287, %mul3A_291 : vector<16xf32>
      %broadcast_in_dim3A_293 = arith.constant 11 : i32
      %broadcast_in_dim3A_294 = vector.broadcast %broadcast_in_dim3A_293 : i32 to vector<16xi32>
      %gather3A_295 = tpu.vector_load_idx %arg16[%min3A_20, %broadcast_in_dim3A_294] : memref<50x32xf32, #tpu.memory_space<vmem>>[vector<16xi32>, vector<16xi32>], vector<16xf32>,
      %mul3A_296 = arith.mulf %add3A_136, %gather3A_295 : vector<16xf32>
      %add3A_297 = arith.addf %add3A_292, %mul3A_296 : vector<16xf32>
      %broadcast_in_dim3A_298 = arith.constant 12 : i32
      %broadcast_in_dim3A_299 = vector.broadcast %broadcast_in_dim3A_298 : i32 to vector<16xi32>
      %gather3A_300 = tpu.vector_load_idx %arg16[%min3A_20, %broadcast_in_dim3A_299] : memref<50x32xf32, #tpu.memory_space<vmem>>[vector<16xi32>, vector<16xi32>], vector<16xf32>,
      %mul3A_301 = arith.mulf %add3A_141, %gather3A_300 : vector<16xf32>
      %add3A_302 = arith.addf %add3A_297, %mul3A_301 : vector<16xf32>
      %broadcast_in_dim3A_303 = arith.constant 13 : i32
      %broadcast_in_dim3A_304 = vector.broadcast %broadcast_in_dim3A_303 : i32 to vector<16xi32>
      %gather3A_305 = tpu.vector_load_idx %arg16[%min3A_20, %broadcast_in_dim3A_304] : memref<50x32xf32, #tpu.memory_space<vmem>>[vector<16xi32>, vector<16xi32>], vector<16xf32>,
      %mul3A_306 = arith.mulf %add3A_146, %gather3A_305 : vector<16xf32>
      %add3A_307 = arith.addf %add3A_302, %mul3A_306 : vector<16xf32>
      %broadcast_in_dim3A_308 = arith.constant 14 : i32
      %broadcast_in_dim3A_309 = vector.broadcast %broadcast_in_dim3A_308 : i32 to vector<16xi32>
      %gather3A_310 = tpu.vector_load_idx %arg16[%min3A_20, %broadcast_in_dim3A_309] : memref<50x32xf32, #tpu.memory_space<vmem>>[vector<16xi32>, vector<16xi32>], vector<16xf32>,
      %mul3A_311 = arith.mulf %add3A_151, %gather3A_310 : vector<16xf32>
      %add3A_312 = arith.addf %add3A_307, %mul3A_311 : vector<16xf32>
      %broadcast_in_dim3A_313 = arith.constant 15 : i32
      %broadcast_in_dim3A_314 = vector.broadcast %broadcast_in_dim3A_313 : i32 to vector<16xi32>
      %gather3A_315 = tpu.vector_load_idx %arg16[%min3A_20, %broadcast_in_dim3A_314] : memref<50x32xf32, #tpu.memory_space<vmem>>[vector<16xi32>, vector<16xi32>], vector<16xf32>,
      %mul3A_316 = arith.mulf %add3A_156, %gather3A_315 : vector<16xf32>
      %add3A_317 = arith.addf %add3A_312, %mul3A_316 : vector<16xf32>
      %broadcast_in_dim3A_318 = arith.constant 0 : i32
      %broadcast_in_dim3A_319 = vector.broadcast %broadcast_in_dim3A_318 : i32 to vector<16xi32>
      %gather3A_320 = tpu.vector_load_idx %arg16[%min3A_26, %broadcast_in_dim3A_319] : memref<50x32xf32, #tpu.memory_space<vmem>>[vector<16xi32>, vector<16xi32>], vector<16xf32>,
      %mul3A_321 = arith.mulf %add3A_81, %gather3A_320 : vector<16xf32>
      %add3A_322 = arith.addf %broadcast_in_dim3A_75, %mul3A_321 : vector<16xf32>
      %broadcast_in_dim3A_323 = arith.constant 1 : i32
      %broadcast_in_dim3A_324 = vector.broadcast %broadcast_in_dim3A_323 : i32 to vector<16xi32>
      %gather3A_325 = tpu.vector_load_idx %arg16[%min3A_26, %broadcast_in_dim3A_324] : memref<50x32xf32, #tpu.memory_space<vmem>>[vector<16xi32>, vector<16xi32>], vector<16xf32>,
      %mul3A_326 = arith.mulf %add3A_86, %gather3A_325 : vector<16xf32>
      %add3A_327 = arith.addf %add3A_322, %mul3A_326 : vector<16xf32>
      %broadcast_in_dim3A_328 = arith.constant 2 : i32
      %broadcast_in_dim3A_329 = vector.broadcast %broadcast_in_dim3A_328 : i32 to vector<16xi32>
      %gather3A_330 = tpu.vector_load_idx %arg16[%min3A_26, %broadcast_in_dim3A_329] : memref<50x32xf32, #tpu.memory_space<vmem>>[vector<16xi32>, vector<16xi32>], vector<16xf32>,
      %mul3A_331 = arith.mulf %add3A_91, %gather3A_330 : vector<16xf32>
      %add3A_332 = arith.addf %add3A_327, %mul3A_331 : vector<16xf32>
      %broadcast_in_dim3A_333 = arith.constant 3 : i32
      %broadcast_in_dim3A_334 = vector.broadcast %broadcast_in_dim3A_333 : i32 to vector<16xi32>
      %gather3A_335 = tpu.vector_load_idx %arg16[%min3A_26, %broadcast_in_dim3A_334] : memref<50x32xf32, #tpu.memory_space<vmem>>[vector<16xi32>, vector<16xi32>], vector<16xf32>,
      %mul3A_336 = arith.mulf %add3A_96, %gather3A_335 : vector<16xf32>
      %add3A_337 = arith.addf %add3A_332, %mul3A_336 : vector<16xf32>
      %broadcast_in_dim3A_338 = arith.constant 4 : i32
      %broadcast_in_dim3A_339 = vector.broadcast %broadcast_in_dim3A_338 : i32 to vector<16xi32>
      %gather3A_340 = tpu.vector_load_idx %arg16[%min3A_26, %broadcast_in_dim3A_339] : memref<50x32xf32, #tpu.memory_space<vmem>>[vector<16xi32>, vector<16xi32>], vector<16xf32>,
      %mul3A_341 = arith.mulf %add3A_101, %gather3A_340 : vector<16xf32>
      %add3A_342 = arith.addf %add3A_337, %mul3A_341 : vector<16xf32>
      %broadcast_in_dim3A_343 = arith.constant 5 : i32
      %broadcast_in_dim3A_344 = vector.broadcast %broadcast_in_dim3A_343 : i32 to vector<16xi32>
      %gather3A_345 = tpu.vector_load_idx %arg16[%min3A_26, %broadcast_in_dim3A_344] : memref<50x32xf32, #tpu.memory_space<vmem>>[vector<16xi32>, vector<16xi32>], vector<16xf32>,
      %mul3A_346 = arith.mulf %add3A_106, %gather3A_345 : vector<16xf32>
      %add3A_347 = arith.addf %add3A_342, %mul3A_346 : vector<16xf32>
      %broadcast_in_dim3A_348 = arith.constant 6 : i32
      %broadcast_in_dim3A_349 = vector.broadcast %broadcast_in_dim3A_348 : i32 to vector<16xi32>
      %gather3A_350 = tpu.vector_load_idx %arg16[%min3A_26, %broadcast_in_dim3A_349] : memref<50x32xf32, #tpu.memory_space<vmem>>[vector<16xi32>, vector<16xi32>], vector<16xf32>,
      %mul3A_351 = arith.mulf %add3A_111, %gather3A_350 : vector<16xf32>
      %add3A_352 = arith.addf %add3A_347, %mul3A_351 : vector<16xf32>
      %broadcast_in_dim3A_353 = arith.constant 7 : i32
      %broadcast_in_dim3A_354 = vector.broadcast %broadcast_in_dim3A_353 : i32 to vector<16xi32>
      %gather3A_355 = tpu.vector_load_idx %arg16[%min3A_26, %broadcast_in_dim3A_354] : memref<50x32xf32, #tpu.memory_space<vmem>>[vector<16xi32>, vector<16xi32>], vector<16xf32>,
      %mul3A_356 = arith.mulf %add3A_116, %gather3A_355 : vector<16xf32>
      %add3A_357 = arith.addf %add3A_352, %mul3A_356 : vector<16xf32>
      %broadcast_in_dim3A_358 = arith.constant 8 : i32
      %broadcast_in_dim3A_359 = vector.broadcast %broadcast_in_dim3A_358 : i32 to vector<16xi32>
      %gather3A_360 = tpu.vector_load_idx %arg16[%min3A_26, %broadcast_in_dim3A_359] : memref<50x32xf32, #tpu.memory_space<vmem>>[vector<16xi32>, vector<16xi32>], vector<16xf32>,
      %mul3A_361 = arith.mulf %add3A_121, %gather3A_360 : vector<16xf32>
      %add3A_362 = arith.addf %add3A_357, %mul3A_361 : vector<16xf32>
      %broadcast_in_dim3A_363 = arith.constant 9 : i32
      %broadcast_in_dim3A_364 = vector.broadcast %broadcast_in_dim3A_363 : i32 to vector<16xi32>
      %gather3A_365 = tpu.vector_load_idx %arg16[%min3A_26, %broadcast_in_dim3A_364] : memref<50x32xf32, #tpu.memory_space<vmem>>[vector<16xi32>, vector<16xi32>], vector<16xf32>,
      %mul3A_366 = arith.mulf %add3A_126, %gather3A_365 : vector<16xf32>
      %add3A_367 = arith.addf %add3A_362, %mul3A_366 : vector<16xf32>
      %broadcast_in_dim3A_368 = arith.constant 10 : i32
      %broadcast_in_dim3A_369 = vector.broadcast %broadcast_in_dim3A_368 : i32 to vector<16xi32>
      %gather3A_370 = tpu.vector_load_idx %arg16[%min3A_26, %broadcast_in_dim3A_369] : memref<50x32xf32, #tpu.memory_space<vmem>>[vector<16xi32>, vector<16xi32>], vector<16xf32>,
      %mul3A_371 = arith.mulf %add3A_131, %gather3A_370 : vector<16xf32>
      %add3A_372 = arith.addf %add3A_367, %mul3A_371 : vector<16xf32>
      %broadcast_in_dim3A_373 = arith.constant 11 : i32
      %broadcast_in_dim3A_374 = vector.broadcast %broadcast_in_dim3A_373 : i32 to vector<16xi32>
      %gather3A_375 = tpu.vector_load_idx %arg16[%min3A_26, %broadcast_in_dim3A_374] : memref<50x32xf32, #tpu.memory_space<vmem>>[vector<16xi32>, vector<16xi32>], vector<16xf32>,
      %mul3A_376 = arith.mulf %add3A_136, %gather3A_375 : vector<16xf32>
      %add3A_377 = arith.addf %add3A_372, %mul3A_376 : vector<16xf32>
      %broadcast_in_dim3A_378 = arith.constant 12 : i32
      %broadcast_in_dim3A_379 = vector.broadcast %broadcast_in_dim3A_378 : i32 to vector<16xi32>
      %gather3A_380 = tpu.vector_load_idx %arg16[%min3A_26, %broadcast_in_dim3A_379] : memref<50x32xf32, #tpu.memory_space<vmem>>[vector<16xi32>, vector<16xi32>], vector<16xf32>,
      %mul3A_381 = arith.mulf %add3A_141, %gather3A_380 : vector<16xf32>
      %add3A_382 = arith.addf %add3A_377, %mul3A_381 : vector<16xf32>
      %broadcast_in_dim3A_383 = arith.constant 13 : i32
      %broadcast_in_dim3A_384 = vector.broadcast %broadcast_in_dim3A_383 : i32 to vector<16xi32>
      %gather3A_385 = tpu.vector_load_idx %arg16[%min3A_26, %broadcast_in_dim3A_384] : memref<50x32xf32, #tpu.memory_space<vmem>>[vector<16xi32>, vector<16xi32>], vector<16xf32>,
      %mul3A_386 = arith.mulf %add3A_146, %gather3A_385 : vector<16xf32>
      %add3A_387 = arith.addf %add3A_382, %mul3A_386 : vector<16xf32>
      %broadcast_in_dim3A_388 = arith.constant 14 : i32
      %broadcast_in_dim3A_389 = vector.broadcast %broadcast_in_dim3A_388 : i32 to vector<16xi32>
      %gather3A_390 = tpu.vector_load_idx %arg16[%min3A_26, %broadcast_in_dim3A_389] : memref<50x32xf32, #tpu.memory_space<vmem>>[vector<16xi32>, vector<16xi32>], vector<16xf32>,
      %mul3A_391 = arith.mulf %add3A_151, %gather3A_390 : vector<16xf32>
      %add3A_392 = arith.addf %add3A_387, %mul3A_391 : vector<16xf32>
      %broadcast_in_dim3A_393 = arith.constant 15 : i32
      %broadcast_in_dim3A_394 = vector.broadcast %broadcast_in_dim3A_393 : i32 to vector<16xi32>
      %gather3A_395 = tpu.vector_load_idx %arg16[%min3A_26, %broadcast_in_dim3A_394] : memref<50x32xf32, #tpu.memory_space<vmem>>[vector<16xi32>, vector<16xi32>], vector<16xf32>,
      %mul3A_396 = arith.mulf %add3A_156, %gather3A_395 : vector<16xf32>
      %add3A_397 = arith.addf %add3A_392, %mul3A_396 : vector<16xf32>
      %broadcast_in_dim3A_398 = arith.constant 0 : i32
      %broadcast_in_dim3A_399 = vector.broadcast %broadcast_in_dim3A_398 : i32 to vector<16xi32>
      %gather3A_400 = tpu.vector_load_idx %arg16[%min3A_32, %broadcast_in_dim3A_399] : memref<50x32xf32, #tpu.memory_space<vmem>>[vector<16xi32>, vector<16xi32>], vector<16xf32>,
      %mul3A_401 = arith.mulf %add3A_81, %gather3A_400 : vector<16xf32>
      %add3A_402 = arith.addf %broadcast_in_dim3A_75, %mul3A_401 : vector<16xf32>
      %broadcast_in_dim3A_403 = arith.constant 1 : i32
      %broadcast_in_dim3A_404 = vector.broadcast %broadcast_in_dim3A_403 : i32 to vector<16xi32>
      %gather3A_405 = tpu.vector_load_idx %arg16[%min3A_32, %broadcast_in_dim3A_404] : memref<50x32xf32, #tpu.memory_space<vmem>>[vector<16xi32>, vector<16xi32>], vector<16xf32>,
      %mul3A_406 = arith.mulf %add3A_86, %gather3A_405 : vector<16xf32>
      %add3A_407 = arith.addf %add3A_402, %mul3A_406 : vector<16xf32>
      %broadcast_in_dim3A_408 = arith.constant 2 : i32
      %broadcast_in_dim3A_409 = vector.broadcast %broadcast_in_dim3A_408 : i32 to vector<16xi32>
      %gather3A_410 = tpu.vector_load_idx %arg16[%min3A_32, %broadcast_in_dim3A_409] : memref<50x32xf32, #tpu.memory_space<vmem>>[vector<16xi32>, vector<16xi32>], vector<16xf32>,
      %mul3A_411 = arith.mulf %add3A_91, %gather3A_410 : vector<16xf32>
      %add3A_412 = arith.addf %add3A_407, %mul3A_411 : vector<16xf32>
      %broadcast_in_dim3A_413 = arith.constant 3 : i32
      %broadcast_in_dim3A_414 = vector.broadcast %broadcast_in_dim3A_413 : i32 to vector<16xi32>
      %gather3A_415 = tpu.vector_load_idx %arg16[%min3A_32, %broadcast_in_dim3A_414] : memref<50x32xf32, #tpu.memory_space<vmem>>[vector<16xi32>, vector<16xi32>], vector<16xf32>,
      %mul3A_416 = arith.mulf %add3A_96, %gather3A_415 : vector<16xf32>
      %add3A_417 = arith.addf %add3A_412, %mul3A_416 : vector<16xf32>
      %broadcast_in_dim3A_418 = arith.constant 4 : i32
      %broadcast_in_dim3A_419 = vector.broadcast %broadcast_in_dim3A_418 : i32 to vector<16xi32>
      %gather3A_420 = tpu.vector_load_idx %arg16[%min3A_32, %broadcast_in_dim3A_419] : memref<50x32xf32, #tpu.memory_space<vmem>>[vector<16xi32>, vector<16xi32>], vector<16xf32>,
      %mul3A_421 = arith.mulf %add3A_101, %gather3A_420 : vector<16xf32>
      %add3A_422 = arith.addf %add3A_417, %mul3A_421 : vector<16xf32>
      %broadcast_in_dim3A_423 = arith.constant 5 : i32
      %broadcast_in_dim3A_424 = vector.broadcast %broadcast_in_dim3A_423 : i32 to vector<16xi32>
      %gather3A_425 = tpu.vector_load_idx %arg16[%min3A_32, %broadcast_in_dim3A_424] : memref<50x32xf32, #tpu.memory_space<vmem>>[vector<16xi32>, vector<16xi32>], vector<16xf32>,
      %mul3A_426 = arith.mulf %add3A_106, %gather3A_425 : vector<16xf32>
      %add3A_427 = arith.addf %add3A_422, %mul3A_426 : vector<16xf32>
      %broadcast_in_dim3A_428 = arith.constant 6 : i32
      %broadcast_in_dim3A_429 = vector.broadcast %broadcast_in_dim3A_428 : i32 to vector<16xi32>
      %gather3A_430 = tpu.vector_load_idx %arg16[%min3A_32, %broadcast_in_dim3A_429] : memref<50x32xf32, #tpu.memory_space<vmem>>[vector<16xi32>, vector<16xi32>], vector<16xf32>,
      %mul3A_431 = arith.mulf %add3A_111, %gather3A_430 : vector<16xf32>
      %add3A_432 = arith.addf %add3A_427, %mul3A_431 : vector<16xf32>
      %broadcast_in_dim3A_433 = arith.constant 7 : i32
      %broadcast_in_dim3A_434 = vector.broadcast %broadcast_in_dim3A_433 : i32 to vector<16xi32>
      %gather3A_435 = tpu.vector_load_idx %arg16[%min3A_32, %broadcast_in_dim3A_434] : memref<50x32xf32, #tpu.memory_space<vmem>>[vector<16xi32>, vector<16xi32>], vector<16xf32>,
      %mul3A_436 = arith.mulf %add3A_116, %gather3A_435 : vector<16xf32>
      %add3A_437 = arith.addf %add3A_432, %mul3A_436 : vector<16xf32>
      %broadcast_in_dim3A_438 = arith.constant 8 : i32
      %broadcast_in_dim3A_439 = vector.broadcast %broadcast_in_dim3A_438 : i32 to vector<16xi32>
      %gather3A_440 = tpu.vector_load_idx %arg16[%min3A_32, %broadcast_in_dim3A_439] : memref<50x32xf32, #tpu.memory_space<vmem>>[vector<16xi32>, vector<16xi32>], vector<16xf32>,
      %mul3A_441 = arith.mulf %add3A_121, %gather3A_440 : vector<16xf32>
      %add3A_442 = arith.addf %add3A_437, %mul3A_441 : vector<16xf32>
      %broadcast_in_dim3A_443 = arith.constant 9 : i32
      %broadcast_in_dim3A_444 = vector.broadcast %broadcast_in_dim3A_443 : i32 to vector<16xi32>
      %gather3A_445 = tpu.vector_load_idx %arg16[%min3A_32, %broadcast_in_dim3A_444] : memref<50x32xf32, #tpu.memory_space<vmem>>[vector<16xi32>, vector<16xi32>], vector<16xf32>,
      %mul3A_446 = arith.mulf %add3A_126, %gather3A_445 : vector<16xf32>
      %add3A_447 = arith.addf %add3A_442, %mul3A_446 : vector<16xf32>
      %broadcast_in_dim3A_448 = arith.constant 10 : i32
      %broadcast_in_dim3A_449 = vector.broadcast %broadcast_in_dim3A_448 : i32 to vector<16xi32>
      %gather3A_450 = tpu.vector_load_idx %arg16[%min3A_32, %broadcast_in_dim3A_449] : memref<50x32xf32, #tpu.memory_space<vmem>>[vector<16xi32>, vector<16xi32>], vector<16xf32>,
      %mul3A_451 = arith.mulf %add3A_131, %gather3A_450 : vector<16xf32>
      %add3A_452 = arith.addf %add3A_447, %mul3A_451 : vector<16xf32>
      %broadcast_in_dim3A_453 = arith.constant 11 : i32
      %broadcast_in_dim3A_454 = vector.broadcast %broadcast_in_dim3A_453 : i32 to vector<16xi32>
      %gather3A_455 = tpu.vector_load_idx %arg16[%min3A_32, %broadcast_in_dim3A_454] : memref<50x32xf32, #tpu.memory_space<vmem>>[vector<16xi32>, vector<16xi32>], vector<16xf32>,
      %mul3A_456 = arith.mulf %add3A_136, %gather3A_455 : vector<16xf32>
      %add3A_457 = arith.addf %add3A_452, %mul3A_456 : vector<16xf32>
      %broadcast_in_dim3A_458 = arith.constant 12 : i32
      %broadcast_in_dim3A_459 = vector.broadcast %broadcast_in_dim3A_458 : i32 to vector<16xi32>
      %gather3A_460 = tpu.vector_load_idx %arg16[%min3A_32, %broadcast_in_dim3A_459] : memref<50x32xf32, #tpu.memory_space<vmem>>[vector<16xi32>, vector<16xi32>], vector<16xf32>,
      %mul3A_461 = arith.mulf %add3A_141, %gather3A_460 : vector<16xf32>
      %add3A_462 = arith.addf %add3A_457, %mul3A_461 : vector<16xf32>
      %broadcast_in_dim3A_463 = arith.constant 13 : i32
      %broadcast_in_dim3A_464 = vector.broadcast %broadcast_in_dim3A_463 : i32 to vector<16xi32>
      %gather3A_465 = tpu.vector_load_idx %arg16[%min3A_32, %broadcast_in_dim3A_464] : memref<50x32xf32, #tpu.memory_space<vmem>>[vector<16xi32>, vector<16xi32>], vector<16xf32>,
      %mul3A_466 = arith.mulf %add3A_146, %gather3A_465 : vector<16xf32>
      %add3A_467 = arith.addf %add3A_462, %mul3A_466 : vector<16xf32>
      %broadcast_in_dim3A_468 = arith.constant 14 : i32
      %broadcast_in_dim3A_469 = vector.broadcast %broadcast_in_dim3A_468 : i32 to vector<16xi32>
      %gather3A_470 = tpu.vector_load_idx %arg16[%min3A_32, %broadcast_in_dim3A_469] : memref<50x32xf32, #tpu.memory_space<vmem>>[vector<16xi32>, vector<16xi32>], vector<16xf32>,
      %mul3A_471 = arith.mulf %add3A_151, %gather3A_470 : vector<16xf32>
      %add3A_472 = arith.addf %add3A_467, %mul3A_471 : vector<16xf32>
      %broadcast_in_dim3A_473 = arith.constant 15 : i32
      %broadcast_in_dim3A_474 = vector.broadcast %broadcast_in_dim3A_473 : i32 to vector<16xi32>
      %gather3A_475 = tpu.vector_load_idx %arg16[%min3A_32, %broadcast_in_dim3A_474] : memref<50x32xf32, #tpu.memory_space<vmem>>[vector<16xi32>, vector<16xi32>], vector<16xf32>,
      %mul3A_476 = arith.mulf %add3A_156, %gather3A_475 : vector<16xf32>
      %add3A_477 = arith.addf %add3A_472, %mul3A_476 : vector<16xf32>
      %broadcast_in_dim3A_478 = arith.constant 16 : i32
      %broadcast_in_dim3A_479 = vector.broadcast %broadcast_in_dim3A_478 : i32 to vector<16xi32>
      %gather3A_480 = tpu.vector_load_idx %arg14[%broadcast_in_dim3A_73, %broadcast_in_dim3A_479] : memref<128x32xf32, #tpu.memory_space<vmem>>[vector<16xi32>, vector<16xi32>], vector<16xf32>,
      %add3A_481 = arith.addf %gather3A_480, %gather3A : vector<16xf32>
      %add3A_482 = arith.addf %add3A_157, %add3A_481 : vector<16xf32>
      %broadcast_in_dim3A_483 = arith.constant 17 : i32
      %broadcast_in_dim3A_484 = vector.broadcast %broadcast_in_dim3A_483 : i32 to vector<16xi32>
      %gather3A_485 = tpu.vector_load_idx %arg14[%broadcast_in_dim3A_73, %broadcast_in_dim3A_484] : memref<128x32xf32, #tpu.memory_space<vmem>>[vector<16xi32>, vector<16xi32>], vector<16xf32>,
      %add3A_486 = arith.addf %gather3A_485, %gather3A : vector<16xf32>
      %add3A_487 = arith.addf %add3A_482, %add3A_486 : vector<16xf32>
      %broadcast_in_dim3A_488 = arith.constant 18 : i32
      %broadcast_in_dim3A_489 = vector.broadcast %broadcast_in_dim3A_488 : i32 to vector<16xi32>
      %gather3A_490 = tpu.vector_load_idx %arg14[%broadcast_in_dim3A_73, %broadcast_in_dim3A_489] : memref<128x32xf32, #tpu.memory_space<vmem>>[vector<16xi32>, vector<16xi32>], vector<16xf32>,
      %add3A_491 = arith.addf %gather3A_490, %gather3A : vector<16xf32>
      %add3A_492 = arith.addf %add3A_487, %add3A_491 : vector<16xf32>
      %broadcast_in_dim3A_493 = arith.constant 19 : i32
      %broadcast_in_dim3A_494 = vector.broadcast %broadcast_in_dim3A_493 : i32 to vector<16xi32>
      %gather3A_495 = tpu.vector_load_idx %arg14[%broadcast_in_dim3A_73, %broadcast_in_dim3A_494] : memref<128x32xf32, #tpu.memory_space<vmem>>[vector<16xi32>, vector<16xi32>], vector<16xf32>,
      %add3A_496 = arith.addf %gather3A_495, %gather3A : vector<16xf32>
      %add3A_497 = arith.addf %add3A_492, %add3A_496 : vector<16xf32>
      %broadcast_in_dim3A_498 = arith.constant 20 : i32
      %broadcast_in_dim3A_499 = vector.broadcast %broadcast_in_dim3A_498 : i32 to vector<16xi32>
      %gather3A_500 = tpu.vector_load_idx %arg14[%broadcast_in_dim3A_73, %broadcast_in_dim3A_499] : memref<128x32xf32, #tpu.memory_space<vmem>>[vector<16xi32>, vector<16xi32>], vector<16xf32>,
      %add3A_501 = arith.addf %gather3A_500, %gather3A : vector<16xf32>
      %add3A_502 = arith.addf %add3A_497, %add3A_501 : vector<16xf32>
      %broadcast_in_dim3A_503 = arith.constant 21 : i32
      %broadcast_in_dim3A_504 = vector.broadcast %broadcast_in_dim3A_503 : i32 to vector<16xi32>
      %gather3A_505 = tpu.vector_load_idx %arg14[%broadcast_in_dim3A_73, %broadcast_in_dim3A_504] : memref<128x32xf32, #tpu.memory_space<vmem>>[vector<16xi32>, vector<16xi32>], vector<16xf32>,
      %add3A_506 = arith.addf %gather3A_505, %gather3A : vector<16xf32>
      %add3A_507 = arith.addf %add3A_502, %add3A_506 : vector<16xf32>
      %broadcast_in_dim3A_508 = arith.constant 22 : i32
      %broadcast_in_dim3A_509 = vector.broadcast %broadcast_in_dim3A_508 : i32 to vector<16xi32>
      %gather3A_510 = tpu.vector_load_idx %arg14[%broadcast_in_dim3A_73, %broadcast_in_dim3A_509] : memref<128x32xf32, #tpu.memory_space<vmem>>[vector<16xi32>, vector<16xi32>], vector<16xf32>,
      %add3A_511 = arith.addf %gather3A_510, %gather3A : vector<16xf32>
      %add3A_512 = arith.addf %add3A_507, %add3A_511 : vector<16xf32>
      %broadcast_in_dim3A_513 = arith.constant 23 : i32
      %broadcast_in_dim3A_514 = vector.broadcast %broadcast_in_dim3A_513 : i32 to vector<16xi32>
      %gather3A_515 = tpu.vector_load_idx %arg14[%broadcast_in_dim3A_73, %broadcast_in_dim3A_514] : memref<128x32xf32, #tpu.memory_space<vmem>>[vector<16xi32>, vector<16xi32>], vector<16xf32>,
      %add3A_516 = arith.addf %gather3A_515, %gather3A : vector<16xf32>
      %add3A_517 = arith.addf %add3A_512, %add3A_516 : vector<16xf32>
      %broadcast_in_dim3A_518 = arith.constant 24 : i32
      %broadcast_in_dim3A_519 = vector.broadcast %broadcast_in_dim3A_518 : i32 to vector<16xi32>
      %gather3A_520 = tpu.vector_load_idx %arg14[%broadcast_in_dim3A_73, %broadcast_in_dim3A_519] : memref<128x32xf32, #tpu.memory_space<vmem>>[vector<16xi32>, vector<16xi32>], vector<16xf32>,
      %add3A_521 = arith.addf %gather3A_520, %gather3A : vector<16xf32>
      %add3A_522 = arith.addf %add3A_517, %add3A_521 : vector<16xf32>
      %broadcast_in_dim3A_523 = arith.constant 25 : i32
      %broadcast_in_dim3A_524 = vector.broadcast %broadcast_in_dim3A_523 : i32 to vector<16xi32>
      %gather3A_525 = tpu.vector_load_idx %arg14[%broadcast_in_dim3A_73, %broadcast_in_dim3A_524] : memref<128x32xf32, #tpu.memory_space<vmem>>[vector<16xi32>, vector<16xi32>], vector<16xf32>,
      %add3A_526 = arith.addf %gather3A_525, %gather3A : vector<16xf32>
      %add3A_527 = arith.addf %add3A_522, %add3A_526 : vector<16xf32>
      %broadcast_in_dim3A_528 = arith.constant 26 : i32
      %broadcast_in_dim3A_529 = vector.broadcast %broadcast_in_dim3A_528 : i32 to vector<16xi32>
      %gather3A_530 = tpu.vector_load_idx %arg14[%broadcast_in_dim3A_73, %broadcast_in_dim3A_529] : memref<128x32xf32, #tpu.memory_space<vmem>>[vector<16xi32>, vector<16xi32>], vector<16xf32>,
      %add3A_531 = arith.addf %gather3A_530, %gather3A : vector<16xf32>
      %add3A_532 = arith.addf %add3A_527, %add3A_531 : vector<16xf32>
      %broadcast_in_dim3A_533 = arith.constant 27 : i32
      %broadcast_in_dim3A_534 = vector.broadcast %broadcast_in_dim3A_533 : i32 to vector<16xi32>
      %gather3A_535 = tpu.vector_load_idx %arg14[%broadcast_in_dim3A_73, %broadcast_in_dim3A_534] : memref<128x32xf32, #tpu.memory_space<vmem>>[vector<16xi32>, vector<16xi32>], vector<16xf32>,
      %add3A_536 = arith.addf %gather3A_535, %gather3A : vector<16xf32>
      %add3A_537 = arith.addf %add3A_532, %add3A_536 : vector<16xf32>
      %broadcast_in_dim3A_538 = arith.constant 28 : i32
      %broadcast_in_dim3A_539 = vector.broadcast %broadcast_in_dim3A_538 : i32 to vector<16xi32>
      %gather3A_540 = tpu.vector_load_idx %arg14[%broadcast_in_dim3A_73, %broadcast_in_dim3A_539] : memref<128x32xf32, #tpu.memory_space<vmem>>[vector<16xi32>, vector<16xi32>], vector<16xf32>,
      %add3A_541 = arith.addf %gather3A_540, %gather3A : vector<16xf32>
      %add3A_542 = arith.addf %add3A_537, %add3A_541 : vector<16xf32>
      %broadcast_in_dim3A_543 = arith.constant 29 : i32
      %broadcast_in_dim3A_544 = vector.broadcast %broadcast_in_dim3A_543 : i32 to vector<16xi32>
      %gather3A_545 = tpu.vector_load_idx %arg14[%broadcast_in_dim3A_73, %broadcast_in_dim3A_544] : memref<128x32xf32, #tpu.memory_space<vmem>>[vector<16xi32>, vector<16xi32>], vector<16xf32>,
      %add3A_546 = arith.addf %gather3A_545, %gather3A : vector<16xf32>
      %add3A_547 = arith.addf %add3A_542, %add3A_546 : vector<16xf32>
      %broadcast_in_dim3A_548 = arith.constant 30 : i32
      %broadcast_in_dim3A_549 = vector.broadcast %broadcast_in_dim3A_548 : i32 to vector<16xi32>
      %gather3A_550 = tpu.vector_load_idx %arg14[%broadcast_in_dim3A_73, %broadcast_in_dim3A_549] : memref<128x32xf32, #tpu.memory_space<vmem>>[vector<16xi32>, vector<16xi32>], vector<16xf32>,
      %add3A_551 = arith.addf %gather3A_550, %gather3A : vector<16xf32>
      %add3A_552 = arith.addf %add3A_547, %add3A_551 : vector<16xf32>
      %broadcast_in_dim3A_553 = arith.constant 31 : i32
      %broadcast_in_dim3A_554 = vector.broadcast %broadcast_in_dim3A_553 : i32 to vector<16xi32>
      %gather3A_555 = tpu.vector_load_idx %arg14[%broadcast_in_dim3A_73, %broadcast_in_dim3A_554] : memref<128x32xf32, #tpu.memory_space<vmem>>[vector<16xi32>, vector<16xi32>], vector<16xf32>,
      %add3A_556 = arith.addf %gather3A_555, %gather3A : vector<16xf32>
      %add3A_557 = arith.addf %add3A_552, %add3A_556 : vector<16xf32>
      %broadcast_in_dim3A_558 = arith.constant 16 : i32
      %broadcast_in_dim3A_559 = vector.broadcast %broadcast_in_dim3A_558 : i32 to vector<16xi32>
      %gather3A_560 = tpu.vector_load_idx %arg16[%min3A_14, %broadcast_in_dim3A_559] : memref<50x32xf32, #tpu.memory_space<vmem>>[vector<16xi32>, vector<16xi32>], vector<16xf32>,
      %mul3A_561 = arith.mulf %add3A_481, %gather3A_560 : vector<16xf32>
      %add3A_562 = arith.addf %add3A_237, %mul3A_561 : vector<16xf32>
      %broadcast_in_dim3A_563 = arith.constant 17 : i32
      %broadcast_in_dim3A_564 = vector.broadcast %broadcast_in_dim3A_563 : i32 to vector<16xi32>
      %gather3A_565 = tpu.vector_load_idx %arg16[%min3A_14, %broadcast_in_dim3A_564] : memref<50x32xf32, #tpu.memory_space<vmem>>[vector<16xi32>, vector<16xi32>], vector<16xf32>,
      %mul3A_566 = arith.mulf %add3A_486, %gather3A_565 : vector<16xf32>
      %add3A_567 = arith.addf %add3A_562, %mul3A_566 : vector<16xf32>
      %broadcast_in_dim3A_568 = arith.constant 18 : i32
      %broadcast_in_dim3A_569 = vector.broadcast %broadcast_in_dim3A_568 : i32 to vector<16xi32>
      %gather3A_570 = tpu.vector_load_idx %arg16[%min3A_14, %broadcast_in_dim3A_569] : memref<50x32xf32, #tpu.memory_space<vmem>>[vector<16xi32>, vector<16xi32>], vector<16xf32>,
      %mul3A_571 = arith.mulf %add3A_491, %gather3A_570 : vector<16xf32>
      %add3A_572 = arith.addf %add3A_567, %mul3A_571 : vector<16xf32>
      %broadcast_in_dim3A_573 = arith.constant 19 : i32
      %broadcast_in_dim3A_574 = vector.broadcast %broadcast_in_dim3A_573 : i32 to vector<16xi32>
      %gather3A_575 = tpu.vector_load_idx %arg16[%min3A_14, %broadcast_in_dim3A_574] : memref<50x32xf32, #tpu.memory_space<vmem>>[vector<16xi32>, vector<16xi32>], vector<16xf32>,
      %mul3A_576 = arith.mulf %add3A_496, %gather3A_575 : vector<16xf32>
      %add3A_577 = arith.addf %add3A_572, %mul3A_576 : vector<16xf32>
      %broadcast_in_dim3A_578 = arith.constant 20 : i32
      %broadcast_in_dim3A_579 = vector.broadcast %broadcast_in_dim3A_578 : i32 to vector<16xi32>
      %gather3A_580 = tpu.vector_load_idx %arg16[%min3A_14, %broadcast_in_dim3A_579] : memref<50x32xf32, #tpu.memory_space<vmem>>[vector<16xi32>, vector<16xi32>], vector<16xf32>,
      %mul3A_581 = arith.mulf %add3A_501, %gather3A_580 : vector<16xf32>
      %add3A_582 = arith.addf %add3A_577, %mul3A_581 : vector<16xf32>
      %broadcast_in_dim3A_583 = arith.constant 21 : i32
      %broadcast_in_dim3A_584 = vector.broadcast %broadcast_in_dim3A_583 : i32 to vector<16xi32>
      %gather3A_585 = tpu.vector_load_idx %arg16[%min3A_14, %broadcast_in_dim3A_584] : memref<50x32xf32, #tpu.memory_space<vmem>>[vector<16xi32>, vector<16xi32>], vector<16xf32>,
      %mul3A_586 = arith.mulf %add3A_506, %gather3A_585 : vector<16xf32>
      %add3A_587 = arith.addf %add3A_582, %mul3A_586 : vector<16xf32>
      %broadcast_in_dim3A_588 = arith.constant 22 : i32
      %broadcast_in_dim3A_589 = vector.broadcast %broadcast_in_dim3A_588 : i32 to vector<16xi32>
      %gather3A_590 = tpu.vector_load_idx %arg16[%min3A_14, %broadcast_in_dim3A_589] : memref<50x32xf32, #tpu.memory_space<vmem>>[vector<16xi32>, vector<16xi32>], vector<16xf32>,
      %mul3A_591 = arith.mulf %add3A_511, %gather3A_590 : vector<16xf32>
      %add3A_592 = arith.addf %add3A_587, %mul3A_591 : vector<16xf32>
      %broadcast_in_dim3A_593 = arith.constant 23 : i32
      %broadcast_in_dim3A_594 = vector.broadcast %broadcast_in_dim3A_593 : i32 to vector<16xi32>
      %gather3A_595 = tpu.vector_load_idx %arg16[%min3A_14, %broadcast_in_dim3A_594] : memref<50x32xf32, #tpu.memory_space<vmem>>[vector<16xi32>, vector<16xi32>], vector<16xf32>,
      %mul3A_596 = arith.mulf %add3A_516, %gather3A_595 : vector<16xf32>
      %add3A_597 = arith.addf %add3A_592, %mul3A_596 : vector<16xf32>
      %broadcast_in_dim3A_598 = arith.constant 24 : i32
      %broadcast_in_dim3A_599 = vector.broadcast %broadcast_in_dim3A_598 : i32 to vector<16xi32>
      %gather3A_600 = tpu.vector_load_idx %arg16[%min3A_14, %broadcast_in_dim3A_599] : memref<50x32xf32, #tpu.memory_space<vmem>>[vector<16xi32>, vector<16xi32>], vector<16xf32>,
      %mul3A_601 = arith.mulf %add3A_521, %gather3A_600 : vector<16xf32>
      %add3A_602 = arith.addf %add3A_597, %mul3A_601 : vector<16xf32>
      %broadcast_in_dim3A_603 = arith.constant 25 : i32
      %broadcast_in_dim3A_604 = vector.broadcast %broadcast_in_dim3A_603 : i32 to vector<16xi32>
      %gather3A_605 = tpu.vector_load_idx %arg16[%min3A_14, %broadcast_in_dim3A_604] : memref<50x32xf32, #tpu.memory_space<vmem>>[vector<16xi32>, vector<16xi32>], vector<16xf32>,
      %mul3A_606 = arith.mulf %add3A_526, %gather3A_605 : vector<16xf32>
      %add3A_607 = arith.addf %add3A_602, %mul3A_606 : vector<16xf32>
      %broadcast_in_dim3A_608 = arith.constant 26 : i32
      %broadcast_in_dim3A_609 = vector.broadcast %broadcast_in_dim3A_608 : i32 to vector<16xi32>
      %gather3A_610 = tpu.vector_load_idx %arg16[%min3A_14, %broadcast_in_dim3A_609] : memref<50x32xf32, #tpu.memory_space<vmem>>[vector<16xi32>, vector<16xi32>], vector<16xf32>,
      %mul3A_611 = arith.mulf %add3A_531, %gather3A_610 : vector<16xf32>
      %add3A_612 = arith.addf %add3A_607, %mul3A_611 : vector<16xf32>
      %broadcast_in_dim3A_613 = arith.constant 27 : i32
      %broadcast_in_dim3A_614 = vector.broadcast %broadcast_in_dim3A_613 : i32 to vector<16xi32>
      %gather3A_615 = tpu.vector_load_idx %arg16[%min3A_14, %broadcast_in_dim3A_614] : memref<50x32xf32, #tpu.memory_space<vmem>>[vector<16xi32>, vector<16xi32>], vector<16xf32>,
      %mul3A_616 = arith.mulf %add3A_536, %gather3A_615 : vector<16xf32>
      %add3A_617 = arith.addf %add3A_612, %mul3A_616 : vector<16xf32>
      %broadcast_in_dim3A_618 = arith.constant 28 : i32
      %broadcast_in_dim3A_619 = vector.broadcast %broadcast_in_dim3A_618 : i32 to vector<16xi32>
      %gather3A_620 = tpu.vector_load_idx %arg16[%min3A_14, %broadcast_in_dim3A_619] : memref<50x32xf32, #tpu.memory_space<vmem>>[vector<16xi32>, vector<16xi32>], vector<16xf32>,
      %mul3A_621 = arith.mulf %add3A_541, %gather3A_620 : vector<16xf32>
      %add3A_622 = arith.addf %add3A_617, %mul3A_621 : vector<16xf32>
      %broadcast_in_dim3A_623 = arith.constant 29 : i32
      %broadcast_in_dim3A_624 = vector.broadcast %broadcast_in_dim3A_623 : i32 to vector<16xi32>
      %gather3A_625 = tpu.vector_load_idx %arg16[%min3A_14, %broadcast_in_dim3A_624] : memref<50x32xf32, #tpu.memory_space<vmem>>[vector<16xi32>, vector<16xi32>], vector<16xf32>,
      %mul3A_626 = arith.mulf %add3A_546, %gather3A_625 : vector<16xf32>
      %add3A_627 = arith.addf %add3A_622, %mul3A_626 : vector<16xf32>
      %broadcast_in_dim3A_628 = arith.constant 30 : i32
      %broadcast_in_dim3A_629 = vector.broadcast %broadcast_in_dim3A_628 : i32 to vector<16xi32>
      %gather3A_630 = tpu.vector_load_idx %arg16[%min3A_14, %broadcast_in_dim3A_629] : memref<50x32xf32, #tpu.memory_space<vmem>>[vector<16xi32>, vector<16xi32>], vector<16xf32>,
      %mul3A_631 = arith.mulf %add3A_551, %gather3A_630 : vector<16xf32>
      %add3A_632 = arith.addf %add3A_627, %mul3A_631 : vector<16xf32>
      %broadcast_in_dim3A_633 = arith.constant 31 : i32
      %broadcast_in_dim3A_634 = vector.broadcast %broadcast_in_dim3A_633 : i32 to vector<16xi32>
      %gather3A_635 = tpu.vector_load_idx %arg16[%min3A_14, %broadcast_in_dim3A_634] : memref<50x32xf32, #tpu.memory_space<vmem>>[vector<16xi32>, vector<16xi32>], vector<16xf32>,
      %mul3A_636 = arith.mulf %add3A_556, %gather3A_635 : vector<16xf32>
      %add3A_637 = arith.addf %add3A_632, %mul3A_636 : vector<16xf32>
      %broadcast_in_dim3A_638 = arith.constant 16 : i32
      %broadcast_in_dim3A_639 = vector.broadcast %broadcast_in_dim3A_638 : i32 to vector<16xi32>
      %gather3A_640 = tpu.vector_load_idx %arg16[%min3A_20, %broadcast_in_dim3A_639] : memref<50x32xf32, #tpu.memory_space<vmem>>[vector<16xi32>, vector<16xi32>], vector<16xf32>,
      %mul3A_641 = arith.mulf %add3A_481, %gather3A_640 : vector<16xf32>
      %add3A_642 = arith.addf %add3A_317, %mul3A_641 : vector<16xf32>
      %broadcast_in_dim3A_643 = arith.constant 17 : i32
      %broadcast_in_dim3A_644 = vector.broadcast %broadcast_in_dim3A_643 : i32 to vector<16xi32>
      %gather3A_645 = tpu.vector_load_idx %arg16[%min3A_20, %broadcast_in_dim3A_644] : memref<50x32xf32, #tpu.memory_space<vmem>>[vector<16xi32>, vector<16xi32>], vector<16xf32>,
      %mul3A_646 = arith.mulf %add3A_486, %gather3A_645 : vector<16xf32>
      %add3A_647 = arith.addf %add3A_642, %mul3A_646 : vector<16xf32>
      %broadcast_in_dim3A_648 = arith.constant 18 : i32
      %broadcast_in_dim3A_649 = vector.broadcast %broadcast_in_dim3A_648 : i32 to vector<16xi32>
      %gather3A_650 = tpu.vector_load_idx %arg16[%min3A_20, %broadcast_in_dim3A_649] : memref<50x32xf32, #tpu.memory_space<vmem>>[vector<16xi32>, vector<16xi32>], vector<16xf32>,
      %mul3A_651 = arith.mulf %add3A_491, %gather3A_650 : vector<16xf32>
      %add3A_652 = arith.addf %add3A_647, %mul3A_651 : vector<16xf32>
      %broadcast_in_dim3A_653 = arith.constant 19 : i32
      %broadcast_in_dim3A_654 = vector.broadcast %broadcast_in_dim3A_653 : i32 to vector<16xi32>
      %gather3A_655 = tpu.vector_load_idx %arg16[%min3A_20, %broadcast_in_dim3A_654] : memref<50x32xf32, #tpu.memory_space<vmem>>[vector<16xi32>, vector<16xi32>], vector<16xf32>,
      %mul3A_656 = arith.mulf %add3A_496, %gather3A_655 : vector<16xf32>
      %add3A_657 = arith.addf %add3A_652, %mul3A_656 : vector<16xf32>
      %broadcast_in_dim3A_658 = arith.constant 20 : i32
      %broadcast_in_dim3A_659 = vector.broadcast %broadcast_in_dim3A_658 : i32 to vector<16xi32>
      %gather3A_660 = tpu.vector_load_idx %arg16[%min3A_20, %broadcast_in_dim3A_659] : memref<50x32xf32, #tpu.memory_space<vmem>>[vector<16xi32>, vector<16xi32>], vector<16xf32>,
      %mul3A_661 = arith.mulf %add3A_501, %gather3A_660 : vector<16xf32>
      %add3A_662 = arith.addf %add3A_657, %mul3A_661 : vector<16xf32>
      %broadcast_in_dim3A_663 = arith.constant 21 : i32
      %broadcast_in_dim3A_664 = vector.broadcast %broadcast_in_dim3A_663 : i32 to vector<16xi32>
      %gather3A_665 = tpu.vector_load_idx %arg16[%min3A_20, %broadcast_in_dim3A_664] : memref<50x32xf32, #tpu.memory_space<vmem>>[vector<16xi32>, vector<16xi32>], vector<16xf32>,
      %mul3A_666 = arith.mulf %add3A_506, %gather3A_665 : vector<16xf32>
      %add3A_667 = arith.addf %add3A_662, %mul3A_666 : vector<16xf32>
      %broadcast_in_dim3A_668 = arith.constant 22 : i32
      %broadcast_in_dim3A_669 = vector.broadcast %broadcast_in_dim3A_668 : i32 to vector<16xi32>
      %gather3A_670 = tpu.vector_load_idx %arg16[%min3A_20, %broadcast_in_dim3A_669] : memref<50x32xf32, #tpu.memory_space<vmem>>[vector<16xi32>, vector<16xi32>], vector<16xf32>,
      %mul3A_671 = arith.mulf %add3A_511, %gather3A_670 : vector<16xf32>
      %add3A_672 = arith.addf %add3A_667, %mul3A_671 : vector<16xf32>
      %broadcast_in_dim3A_673 = arith.constant 23 : i32
      %broadcast_in_dim3A_674 = vector.broadcast %broadcast_in_dim3A_673 : i32 to vector<16xi32>
      %gather3A_675 = tpu.vector_load_idx %arg16[%min3A_20, %broadcast_in_dim3A_674] : memref<50x32xf32, #tpu.memory_space<vmem>>[vector<16xi32>, vector<16xi32>], vector<16xf32>,
      %mul3A_676 = arith.mulf %add3A_516, %gather3A_675 : vector<16xf32>
      %add3A_677 = arith.addf %add3A_672, %mul3A_676 : vector<16xf32>
      %broadcast_in_dim3A_678 = arith.constant 24 : i32
      %broadcast_in_dim3A_679 = vector.broadcast %broadcast_in_dim3A_678 : i32 to vector<16xi32>
      %gather3A_680 = tpu.vector_load_idx %arg16[%min3A_20, %broadcast_in_dim3A_679] : memref<50x32xf32, #tpu.memory_space<vmem>>[vector<16xi32>, vector<16xi32>], vector<16xf32>,
      %mul3A_681 = arith.mulf %add3A_521, %gather3A_680 : vector<16xf32>
      %add3A_682 = arith.addf %add3A_677, %mul3A_681 : vector<16xf32>
      %broadcast_in_dim3A_683 = arith.constant 25 : i32
      %broadcast_in_dim3A_684 = vector.broadcast %broadcast_in_dim3A_683 : i32 to vector<16xi32>
      %gather3A_685 = tpu.vector_load_idx %arg16[%min3A_20, %broadcast_in_dim3A_684] : memref<50x32xf32, #tpu.memory_space<vmem>>[vector<16xi32>, vector<16xi32>], vector<16xf32>,
      %mul3A_686 = arith.mulf %add3A_526, %gather3A_685 : vector<16xf32>
      %add3A_687 = arith.addf %add3A_682, %mul3A_686 : vector<16xf32>
      %broadcast_in_dim3A_688 = arith.constant 26 : i32
      %broadcast_in_dim3A_689 = vector.broadcast %broadcast_in_dim3A_688 : i32 to vector<16xi32>
      %gather3A_690 = tpu.vector_load_idx %arg16[%min3A_20, %broadcast_in_dim3A_689] : memref<50x32xf32, #tpu.memory_space<vmem>>[vector<16xi32>, vector<16xi32>], vector<16xf32>,
      %mul3A_691 = arith.mulf %add3A_531, %gather3A_690 : vector<16xf32>
      %add3A_692 = arith.addf %add3A_687, %mul3A_691 : vector<16xf32>
      %broadcast_in_dim3A_693 = arith.constant 27 : i32
      %broadcast_in_dim3A_694 = vector.broadcast %broadcast_in_dim3A_693 : i32 to vector<16xi32>
      %gather3A_695 = tpu.vector_load_idx %arg16[%min3A_20, %broadcast_in_dim3A_694] : memref<50x32xf32, #tpu.memory_space<vmem>>[vector<16xi32>, vector<16xi32>], vector<16xf32>,
      %mul3A_696 = arith.mulf %add3A_536, %gather3A_695 : vector<16xf32>
      %add3A_697 = arith.addf %add3A_692, %mul3A_696 : vector<16xf32>
      %broadcast_in_dim3A_698 = arith.constant 28 : i32
      %broadcast_in_dim3A_699 = vector.broadcast %broadcast_in_dim3A_698 : i32 to vector<16xi32>
      %gather3A_700 = tpu.vector_load_idx %arg16[%min3A_20, %broadcast_in_dim3A_699] : memref<50x32xf32, #tpu.memory_space<vmem>>[vector<16xi32>, vector<16xi32>], vector<16xf32>,
      %mul3A_701 = arith.mulf %add3A_541, %gather3A_700 : vector<16xf32>
      %add3A_702 = arith.addf %add3A_697, %mul3A_701 : vector<16xf32>
      %broadcast_in_dim3A_703 = arith.constant 29 : i32
      %broadcast_in_dim3A_704 = vector.broadcast %broadcast_in_dim3A_703 : i32 to vector<16xi32>
      %gather3A_705 = tpu.vector_load_idx %arg16[%min3A_20, %broadcast_in_dim3A_704] : memref<50x32xf32, #tpu.memory_space<vmem>>[vector<16xi32>, vector<16xi32>], vector<16xf32>,
      %mul3A_706 = arith.mulf %add3A_546, %gather3A_705 : vector<16xf32>
      %add3A_707 = arith.addf %add3A_702, %mul3A_706 : vector<16xf32>
      %broadcast_in_dim3A_708 = arith.constant 30 : i32
      %broadcast_in_dim3A_709 = vector.broadcast %broadcast_in_dim3A_708 : i32 to vector<16xi32>
      %gather3A_710 = tpu.vector_load_idx %arg16[%min3A_20, %broadcast_in_dim3A_709] : memref<50x32xf32, #tpu.memory_space<vmem>>[vector<16xi32>, vector<16xi32>], vector<16xf32>,
      %mul3A_711 = arith.mulf %add3A_551, %gather3A_710 : vector<16xf32>
      %add3A_712 = arith.addf %add3A_707, %mul3A_711 : vector<16xf32>
      %broadcast_in_dim3A_713 = arith.constant 31 : i32
      %broadcast_in_dim3A_714 = vector.broadcast %broadcast_in_dim3A_713 : i32 to vector<16xi32>
      %gather3A_715 = tpu.vector_load_idx %arg16[%min3A_20, %broadcast_in_dim3A_714] : memref<50x32xf32, #tpu.memory_space<vmem>>[vector<16xi32>, vector<16xi32>], vector<16xf32>,
      %mul3A_716 = arith.mulf %add3A_556, %gather3A_715 : vector<16xf32>
      %add3A_717 = arith.addf %add3A_712, %mul3A_716 : vector<16xf32>
      %broadcast_in_dim3A_718 = arith.constant 16 : i32
      %broadcast_in_dim3A_719 = vector.broadcast %broadcast_in_dim3A_718 : i32 to vector<16xi32>
      %gather3A_720 = tpu.vector_load_idx %arg16[%min3A_26, %broadcast_in_dim3A_719] : memref<50x32xf32, #tpu.memory_space<vmem>>[vector<16xi32>, vector<16xi32>], vector<16xf32>,
      %mul3A_721 = arith.mulf %add3A_481, %gather3A_720 : vector<16xf32>
      %add3A_722 = arith.addf %add3A_397, %mul3A_721 : vector<16xf32>
      %broadcast_in_dim3A_723 = arith.constant 17 : i32
      %broadcast_in_dim3A_724 = vector.broadcast %broadcast_in_dim3A_723 : i32 to vector<16xi32>
      %gather3A_725 = tpu.vector_load_idx %arg16[%min3A_26, %broadcast_in_dim3A_724] : memref<50x32xf32, #tpu.memory_space<vmem>>[vector<16xi32>, vector<16xi32>], vector<16xf32>,
      %mul3A_726 = arith.mulf %add3A_486, %gather3A_725 : vector<16xf32>
      %add3A_727 = arith.addf %add3A_722, %mul3A_726 : vector<16xf32>
      %broadcast_in_dim3A_728 = arith.constant 18 : i32
      %broadcast_in_dim3A_729 = vector.broadcast %broadcast_in_dim3A_728 : i32 to vector<16xi32>
      %gather3A_730 = tpu.vector_load_idx %arg16[%min3A_26, %broadcast_in_dim3A_729] : memref<50x32xf32, #tpu.memory_space<vmem>>[vector<16xi32>, vector<16xi32>], vector<16xf32>,
      %mul3A_731 = arith.mulf %add3A_491, %gather3A_730 : vector<16xf32>
      %add3A_732 = arith.addf %add3A_727, %mul3A_731 : vector<16xf32>
      %broadcast_in_dim3A_733 = arith.constant 19 : i32
      %broadcast_in_dim3A_734 = vector.broadcast %broadcast_in_dim3A_733 : i32 to vector<16xi32>
      %gather3A_735 = tpu.vector_load_idx %arg16[%min3A_26, %broadcast_in_dim3A_734] : memref<50x32xf32, #tpu.memory_space<vmem>>[vector<16xi32>, vector<16xi32>], vector<16xf32>,
      %mul3A_736 = arith.mulf %add3A_496, %gather3A_735 : vector<16xf32>
      %add3A_737 = arith.addf %add3A_732, %mul3A_736 : vector<16xf32>
      %broadcast_in_dim3A_738 = arith.constant 20 : i32
      %broadcast_in_dim3A_739 = vector.broadcast %broadcast_in_dim3A_738 : i32 to vector<16xi32>
      %gather3A_740 = tpu.vector_load_idx %arg16[%min3A_26, %broadcast_in_dim3A_739] : memref<50x32xf32, #tpu.memory_space<vmem>>[vector<16xi32>, vector<16xi32>], vector<16xf32>,
      %mul3A_741 = arith.mulf %add3A_501, %gather3A_740 : vector<16xf32>
      %add3A_742 = arith.addf %add3A_737, %mul3A_741 : vector<16xf32>
      %broadcast_in_dim3A_743 = arith.constant 21 : i32
      %broadcast_in_dim3A_744 = vector.broadcast %broadcast_in_dim3A_743 : i32 to vector<16xi32>
      %gather3A_745 = tpu.vector_load_idx %arg16[%min3A_26, %broadcast_in_dim3A_744] : memref<50x32xf32, #tpu.memory_space<vmem>>[vector<16xi32>, vector<16xi32>], vector<16xf32>,
      %mul3A_746 = arith.mulf %add3A_506, %gather3A_745 : vector<16xf32>
      %add3A_747 = arith.addf %add3A_742, %mul3A_746 : vector<16xf32>
      %broadcast_in_dim3A_748 = arith.constant 22 : i32
      %broadcast_in_dim3A_749 = vector.broadcast %broadcast_in_dim3A_748 : i32 to vector<16xi32>
      %gather3A_750 = tpu.vector_load_idx %arg16[%min3A_26, %broadcast_in_dim3A_749] : memref<50x32xf32, #tpu.memory_space<vmem>>[vector<16xi32>, vector<16xi32>], vector<16xf32>,
      %mul3A_751 = arith.mulf %add3A_511, %gather3A_750 : vector<16xf32>
      %add3A_752 = arith.addf %add3A_747, %mul3A_751 : vector<16xf32>
      %broadcast_in_dim3A_753 = arith.constant 23 : i32
      %broadcast_in_dim3A_754 = vector.broadcast %broadcast_in_dim3A_753 : i32 to vector<16xi32>
      %gather3A_755 = tpu.vector_load_idx %arg16[%min3A_26, %broadcast_in_dim3A_754] : memref<50x32xf32, #tpu.memory_space<vmem>>[vector<16xi32>, vector<16xi32>], vector<16xf32>,
      %mul3A_756 = arith.mulf %add3A_516, %gather3A_755 : vector<16xf32>
      %add3A_757 = arith.addf %add3A_752, %mul3A_756 : vector<16xf32>
      %broadcast_in_dim3A_758 = arith.constant 24 : i32
      %broadcast_in_dim3A_759 = vector.broadcast %broadcast_in_dim3A_758 : i32 to vector<16xi32>
      %gather3A_760 = tpu.vector_load_idx %arg16[%min3A_26, %broadcast_in_dim3A_759] : memref<50x32xf32, #tpu.memory_space<vmem>>[vector<16xi32>, vector<16xi32>], vector<16xf32>,
      %mul3A_761 = arith.mulf %add3A_521, %gather3A_760 : vector<16xf32>
      %add3A_762 = arith.addf %add3A_757, %mul3A_761 : vector<16xf32>
      %broadcast_in_dim3A_763 = arith.constant 25 : i32
      %broadcast_in_dim3A_764 = vector.broadcast %broadcast_in_dim3A_763 : i32 to vector<16xi32>
      %gather3A_765 = tpu.vector_load_idx %arg16[%min3A_26, %broadcast_in_dim3A_764] : memref<50x32xf32, #tpu.memory_space<vmem>>[vector<16xi32>, vector<16xi32>], vector<16xf32>,
      %mul3A_766 = arith.mulf %add3A_526, %gather3A_765 : vector<16xf32>
      %add3A_767 = arith.addf %add3A_762, %mul3A_766 : vector<16xf32>
      %broadcast_in_dim3A_768 = arith.constant 26 : i32
      %broadcast_in_dim3A_769 = vector.broadcast %broadcast_in_dim3A_768 : i32 to vector<16xi32>
      %gather3A_770 = tpu.vector_load_idx %arg16[%min3A_26, %broadcast_in_dim3A_769] : memref<50x32xf32, #tpu.memory_space<vmem>>[vector<16xi32>, vector<16xi32>], vector<16xf32>,
      %mul3A_771 = arith.mulf %add3A_531, %gather3A_770 : vector<16xf32>
      %add3A_772 = arith.addf %add3A_767, %mul3A_771 : vector<16xf32>
      %broadcast_in_dim3A_773 = arith.constant 27 : i32
      %broadcast_in_dim3A_774 = vector.broadcast %broadcast_in_dim3A_773 : i32 to vector<16xi32>
      %gather3A_775 = tpu.vector_load_idx %arg16[%min3A_26, %broadcast_in_dim3A_774] : memref<50x32xf32, #tpu.memory_space<vmem>>[vector<16xi32>, vector<16xi32>], vector<16xf32>,
      %mul3A_776 = arith.mulf %add3A_536, %gather3A_775 : vector<16xf32>
      %add3A_777 = arith.addf %add3A_772, %mul3A_776 : vector<16xf32>
      %broadcast_in_dim3A_778 = arith.constant 28 : i32
      %broadcast_in_dim3A_779 = vector.broadcast %broadcast_in_dim3A_778 : i32 to vector<16xi32>
      %gather3A_780 = tpu.vector_load_idx %arg16[%min3A_26, %broadcast_in_dim3A_779] : memref<50x32xf32, #tpu.memory_space<vmem>>[vector<16xi32>, vector<16xi32>], vector<16xf32>,
      %mul3A_781 = arith.mulf %add3A_541, %gather3A_780 : vector<16xf32>
      %add3A_782 = arith.addf %add3A_777, %mul3A_781 : vector<16xf32>
      %broadcast_in_dim3A_783 = arith.constant 29 : i32
      %broadcast_in_dim3A_784 = vector.broadcast %broadcast_in_dim3A_783 : i32 to vector<16xi32>
      %gather3A_785 = tpu.vector_load_idx %arg16[%min3A_26, %broadcast_in_dim3A_784] : memref<50x32xf32, #tpu.memory_space<vmem>>[vector<16xi32>, vector<16xi32>], vector<16xf32>,
      %mul3A_786 = arith.mulf %add3A_546, %gather3A_785 : vector<16xf32>
      %add3A_787 = arith.addf %add3A_782, %mul3A_786 : vector<16xf32>
      %broadcast_in_dim3A_788 = arith.constant 30 : i32
      %broadcast_in_dim3A_789 = vector.broadcast %broadcast_in_dim3A_788 : i32 to vector<16xi32>
      %gather3A_790 = tpu.vector_load_idx %arg16[%min3A_26, %broadcast_in_dim3A_789] : memref<50x32xf32, #tpu.memory_space<vmem>>[vector<16xi32>, vector<16xi32>], vector<16xf32>,
      %mul3A_791 = arith.mulf %add3A_551, %gather3A_790 : vector<16xf32>
      %add3A_792 = arith.addf %add3A_787, %mul3A_791 : vector<16xf32>
      %broadcast_in_dim3A_793 = arith.constant 31 : i32
      %broadcast_in_dim3A_794 = vector.broadcast %broadcast_in_dim3A_793 : i32 to vector<16xi32>
      %gather3A_795 = tpu.vector_load_idx %arg16[%min3A_26, %broadcast_in_dim3A_794] : memref<50x32xf32, #tpu.memory_space<vmem>>[vector<16xi32>, vector<16xi32>], vector<16xf32>,
      %mul3A_796 = arith.mulf %add3A_556, %gather3A_795 : vector<16xf32>
      %add3A_797 = arith.addf %add3A_792, %mul3A_796 : vector<16xf32>
      %broadcast_in_dim3A_798 = arith.constant 16 : i32
      %broadcast_in_dim3A_799 = vector.broadcast %broadcast_in_dim3A_798 : i32 to vector<16xi32>
      %gather3A_800 = tpu.vector_load_idx %arg16[%min3A_32, %broadcast_in_dim3A_799] : memref<50x32xf32, #tpu.memory_space<vmem>>[vector<16xi32>, vector<16xi32>], vector<16xf32>,
      %mul3A_801 = arith.mulf %add3A_481, %gather3A_800 : vector<16xf32>
      %add3A_802 = arith.addf %add3A_477, %mul3A_801 : vector<16xf32>
      %broadcast_in_dim3A_803 = arith.constant 17 : i32
      %broadcast_in_dim3A_804 = vector.broadcast %broadcast_in_dim3A_803 : i32 to vector<16xi32>
      %gather3A_805 = tpu.vector_load_idx %arg16[%min3A_32, %broadcast_in_dim3A_804] : memref<50x32xf32, #tpu.memory_space<vmem>>[vector<16xi32>, vector<16xi32>], vector<16xf32>,
      %mul3A_806 = arith.mulf %add3A_486, %gather3A_805 : vector<16xf32>
      %add3A_807 = arith.addf %add3A_802, %mul3A_806 : vector<16xf32>
      %broadcast_in_dim3A_808 = arith.constant 18 : i32
      %broadcast_in_dim3A_809 = vector.broadcast %broadcast_in_dim3A_808 : i32 to vector<16xi32>
      %gather3A_810 = tpu.vector_load_idx %arg16[%min3A_32, %broadcast_in_dim3A_809] : memref<50x32xf32, #tpu.memory_space<vmem>>[vector<16xi32>, vector<16xi32>], vector<16xf32>,
      %mul3A_811 = arith.mulf %add3A_491, %gather3A_810 : vector<16xf32>
      %add3A_812 = arith.addf %add3A_807, %mul3A_811 : vector<16xf32>
      %broadcast_in_dim3A_813 = arith.constant 19 : i32
      %broadcast_in_dim3A_814 = vector.broadcast %broadcast_in_dim3A_813 : i32 to vector<16xi32>
      %gather3A_815 = tpu.vector_load_idx %arg16[%min3A_32, %broadcast_in_dim3A_814] : memref<50x32xf32, #tpu.memory_space<vmem>>[vector<16xi32>, vector<16xi32>], vector<16xf32>,
      %mul3A_816 = arith.mulf %add3A_496, %gather3A_815 : vector<16xf32>
      %add3A_817 = arith.addf %add3A_812, %mul3A_816 : vector<16xf32>
      %broadcast_in_dim3A_818 = arith.constant 20 : i32
      %broadcast_in_dim3A_819 = vector.broadcast %broadcast_in_dim3A_818 : i32 to vector<16xi32>
      %gather3A_820 = tpu.vector_load_idx %arg16[%min3A_32, %broadcast_in_dim3A_819] : memref<50x32xf32, #tpu.memory_space<vmem>>[vector<16xi32>, vector<16xi32>], vector<16xf32>,
      %mul3A_821 = arith.mulf %add3A_501, %gather3A_820 : vector<16xf32>
      %add3A_822 = arith.addf %add3A_817, %mul3A_821 : vector<16xf32>
      %broadcast_in_dim3A_823 = arith.constant 21 : i32
      %broadcast_in_dim3A_824 = vector.broadcast %broadcast_in_dim3A_823 : i32 to vector<16xi32>
      %gather3A_825 = tpu.vector_load_idx %arg16[%min3A_32, %broadcast_in_dim3A_824] : memref<50x32xf32, #tpu.memory_space<vmem>>[vector<16xi32>, vector<16xi32>], vector<16xf32>,
      %mul3A_826 = arith.mulf %add3A_506, %gather3A_825 : vector<16xf32>
      %add3A_827 = arith.addf %add3A_822, %mul3A_826 : vector<16xf32>
      %broadcast_in_dim3A_828 = arith.constant 22 : i32
      %broadcast_in_dim3A_829 = vector.broadcast %broadcast_in_dim3A_828 : i32 to vector<16xi32>
      %gather3A_830 = tpu.vector_load_idx %arg16[%min3A_32, %broadcast_in_dim3A_829] : memref<50x32xf32, #tpu.memory_space<vmem>>[vector<16xi32>, vector<16xi32>], vector<16xf32>,
      %mul3A_831 = arith.mulf %add3A_511, %gather3A_830 : vector<16xf32>
      %add3A_832 = arith.addf %add3A_827, %mul3A_831 : vector<16xf32>
      %broadcast_in_dim3A_833 = arith.constant 23 : i32
      %broadcast_in_dim3A_834 = vector.broadcast %broadcast_in_dim3A_833 : i32 to vector<16xi32>
      %gather3A_835 = tpu.vector_load_idx %arg16[%min3A_32, %broadcast_in_dim3A_834] : memref<50x32xf32, #tpu.memory_space<vmem>>[vector<16xi32>, vector<16xi32>], vector<16xf32>,
      %mul3A_836 = arith.mulf %add3A_516, %gather3A_835 : vector<16xf32>
      %add3A_837 = arith.addf %add3A_832, %mul3A_836 : vector<16xf32>
      %broadcast_in_dim3A_838 = arith.constant 24 : i32
      %broadcast_in_dim3A_839 = vector.broadcast %broadcast_in_dim3A_838 : i32 to vector<16xi32>
      %gather3A_840 = tpu.vector_load_idx %arg16[%min3A_32, %broadcast_in_dim3A_839] : memref<50x32xf32, #tpu.memory_space<vmem>>[vector<16xi32>, vector<16xi32>], vector<16xf32>,
      %mul3A_841 = arith.mulf %add3A_521, %gather3A_840 : vector<16xf32>
      %add3A_842 = arith.addf %add3A_837, %mul3A_841 : vector<16xf32>
      %broadcast_in_dim3A_843 = arith.constant 25 : i32
      %broadcast_in_dim3A_844 = vector.broadcast %broadcast_in_dim3A_843 : i32 to vector<16xi32>
      %gather3A_845 = tpu.vector_load_idx %arg16[%min3A_32, %broadcast_in_dim3A_844] : memref<50x32xf32, #tpu.memory_space<vmem>>[vector<16xi32>, vector<16xi32>], vector<16xf32>,
      %mul3A_846 = arith.mulf %add3A_526, %gather3A_845 : vector<16xf32>
      %add3A_847 = arith.addf %add3A_842, %mul3A_846 : vector<16xf32>
      %broadcast_in_dim3A_848 = arith.constant 26 : i32
      %broadcast_in_dim3A_849 = vector.broadcast %broadcast_in_dim3A_848 : i32 to vector<16xi32>
      %gather3A_850 = tpu.vector_load_idx %arg16[%min3A_32, %broadcast_in_dim3A_849] : memref<50x32xf32, #tpu.memory_space<vmem>>[vector<16xi32>, vector<16xi32>], vector<16xf32>,
      %mul3A_851 = arith.mulf %add3A_531, %gather3A_850 : vector<16xf32>
      %add3A_852 = arith.addf %add3A_847, %mul3A_851 : vector<16xf32>
      %broadcast_in_dim3A_853 = arith.constant 27 : i32
      %broadcast_in_dim3A_854 = vector.broadcast %broadcast_in_dim3A_853 : i32 to vector<16xi32>
      %gather3A_855 = tpu.vector_load_idx %arg16[%min3A_32, %broadcast_in_dim3A_854] : memref<50x32xf32, #tpu.memory_space<vmem>>[vector<16xi32>, vector<16xi32>], vector<16xf32>,
      %mul3A_856 = arith.mulf %add3A_536, %gather3A_855 : vector<16xf32>
      %add3A_857 = arith.addf %add3A_852, %mul3A_856 : vector<16xf32>
      %broadcast_in_dim3A_858 = arith.constant 28 : i32
      %broadcast_in_dim3A_859 = vector.broadcast %broadcast_in_dim3A_858 : i32 to vector<16xi32>
      %gather3A_860 = tpu.vector_load_idx %arg16[%min3A_32, %broadcast_in_dim3A_859] : memref<50x32xf32, #tpu.memory_space<vmem>>[vector<16xi32>, vector<16xi32>], vector<16xf32>,
      %mul3A_861 = arith.mulf %add3A_541, %gather3A_860 : vector<16xf32>
      %add3A_862 = arith.addf %add3A_857, %mul3A_861 : vector<16xf32>
      %broadcast_in_dim3A_863 = arith.constant 29 : i32
      %broadcast_in_dim3A_864 = vector.broadcast %broadcast_in_dim3A_863 : i32 to vector<16xi32>
      %gather3A_865 = tpu.vector_load_idx %arg16[%min3A_32, %broadcast_in_dim3A_864] : memref<50x32xf32, #tpu.memory_space<vmem>>[vector<16xi32>, vector<16xi32>], vector<16xf32>,
      %mul3A_866 = arith.mulf %add3A_546, %gather3A_865 : vector<16xf32>
      %add3A_867 = arith.addf %add3A_862, %mul3A_866 : vector<16xf32>
      %broadcast_in_dim3A_868 = arith.constant 30 : i32
      %broadcast_in_dim3A_869 = vector.broadcast %broadcast_in_dim3A_868 : i32 to vector<16xi32>
      %gather3A_870 = tpu.vector_load_idx %arg16[%min3A_32, %broadcast_in_dim3A_869] : memref<50x32xf32, #tpu.memory_space<vmem>>[vector<16xi32>, vector<16xi32>], vector<16xf32>,
      %mul3A_871 = arith.mulf %add3A_551, %gather3A_870 : vector<16xf32>
      %add3A_872 = arith.addf %add3A_867, %mul3A_871 : vector<16xf32>
      %broadcast_in_dim3A_873 = arith.constant 31 : i32
      %broadcast_in_dim3A_874 = vector.broadcast %broadcast_in_dim3A_873 : i32 to vector<16xi32>
      %gather3A_875 = tpu.vector_load_idx %arg16[%min3A_32, %broadcast_in_dim3A_874] : memref<50x32xf32, #tpu.memory_space<vmem>>[vector<16xi32>, vector<16xi32>], vector<16xf32>,
      %mul3A_876 = arith.mulf %add3A_556, %gather3A_875 : vector<16xf32>
      %add3A_877 = arith.addf %add3A_872, %mul3A_876 : vector<16xf32>
      %mul3A_878 = arith.constant 50 : i32
      %mul3A_879 = arith.muli %scan3A_50, %mul3A_878 : i32
      %add3A_880 = vector.broadcast %mul3A_879 : i32 to vector<16xi32>
      %add3A_881 = arith.addi %add3A_880, %iota3A : vector<16xi32>
      %gather3A_882 = tpu.vector_load_idx %arg17[%min3A_14] : memref<50xf32, #tpu.memory_space<vmem>>[vector<16xi32>], vector<16xf32>,
      %mul3A_883 = arith.mulf %gather3A_882, %add3A_557 : vector<16xf32>
      %add3A_884 = arith.addf %add3A_637, %mul3A_883 : vector<16xf32>
      %add3A_885 = arith.constant 0 : i32
      %add3A_886 = vector.broadcast %add3A_885 : i32 to vector<16xi32>
      %add3A_887 = arith.addi %add3A_886, %iota3A : vector<16xi32>
      %lt3A = arith.constant 50 : i32
      %lt3A_888 = vector.broadcast %lt3A : i32 to vector<16xi32>
      %lt3A_889 = arith.cmpi slt, %add3A_887, %lt3A_888 : vector<16xi32>
      %add3A_890 = arith.constant 0 : i32
      %add3A_891 = vector.broadcast %add3A_890 : i32 to vector<16xi32>
      %add3A_892 = arith.addi %add3A_881, %add3A_891 : vector<16xi32>
      tpu.vector_store_idx %arg19[%add3A_892], %add3A_884 masked %lt3A_889 : memref<6400xf32, #tpu.memory_space<vmem>>[vector<16xi32>], vector<16xf32>, vector<16xi1>
      %gather3A_893 = tpu.vector_load_idx %arg17[%min3A_20] : memref<50xf32, #tpu.memory_space<vmem>>[vector<16xi32>], vector<16xf32>,
      %mul3A_894 = arith.mulf %gather3A_893, %add3A_557 : vector<16xf32>
      %add3A_895 = arith.addf %add3A_717, %mul3A_894 : vector<16xf32>
      %add3A_896 = arith.constant 16 : i32
      %add3A_897 = vector.broadcast %add3A_896 : i32 to vector<16xi32>
      %add3A_898 = arith.addi %add3A_897, %iota3A : vector<16xi32>
      %lt3A_899 = arith.constant 50 : i32
      %lt3A_900 = vector.broadcast %lt3A_899 : i32 to vector<16xi32>
      %lt3A_901 = arith.cmpi slt, %add3A_898, %lt3A_900 : vector<16xi32>
      %add3A_902 = arith.constant 16 : i32
      %add3A_903 = vector.broadcast %add3A_902 : i32 to vector<16xi32>
      %add3A_904 = arith.addi %add3A_881, %add3A_903 : vector<16xi32>
      tpu.vector_store_idx %arg19[%add3A_904], %add3A_895 masked %lt3A_901 : memref<6400xf32, #tpu.memory_space<vmem>>[vector<16xi32>], vector<16xf32>, vector<16xi1>
      %gather3A_905 = tpu.vector_load_idx %arg17[%min3A_26] : memref<50xf32, #tpu.memory_space<vmem>>[vector<16xi32>], vector<16xf32>,
      %mul3A_906 = arith.mulf %gather3A_905, %add3A_557 : vector<16xf32>
      %add3A_907 = arith.addf %add3A_797, %mul3A_906 : vector<16xf32>
      %add3A_908 = arith.constant 32 : i32
      %add3A_909 = vector.broadcast %add3A_908 : i32 to vector<16xi32>
      %add3A_910 = arith.addi %add3A_909, %iota3A : vector<16xi32>
      %lt3A_911 = arith.constant 50 : i32
      %lt3A_912 = vector.broadcast %lt3A_911 : i32 to vector<16xi32>
      %lt3A_913 = arith.cmpi slt, %add3A_910, %lt3A_912 : vector<16xi32>
      %add3A_914 = arith.constant 32 : i32
      %add3A_915 = vector.broadcast %add3A_914 : i32 to vector<16xi32>
      %add3A_916 = arith.addi %add3A_881, %add3A_915 : vector<16xi32>
      tpu.vector_store_idx %arg19[%add3A_916], %add3A_907 masked %lt3A_913 : memref<6400xf32, #tpu.memory_space<vmem>>[vector<16xi32>], vector<16xf32>, vector<16xi1>
      %gather3A_917 = tpu.vector_load_idx %arg17[%min3A_32] : memref<50xf32, #tpu.memory_space<vmem>>[vector<16xi32>], vector<16xf32>,
      %mul3A_918 = arith.mulf %gather3A_917, %add3A_557 : vector<16xf32>
      %add3A_919 = arith.addf %add3A_877, %mul3A_918 : vector<16xf32>
      %add3A_920 = arith.constant 48 : i32
      %add3A_921 = vector.broadcast %add3A_920 : i32 to vector<16xi32>
      %add3A_922 = arith.addi %add3A_921, %iota3A : vector<16xi32>
      %lt3A_923 = arith.constant 50 : i32
      %lt3A_924 = vector.broadcast %lt3A_923 : i32 to vector<16xi32>
      %lt3A_925 = arith.cmpi slt, %add3A_922, %lt3A_924 : vector<16xi32>
      %add3A_926 = arith.constant 48 : i32
      %add3A_927 = vector.broadcast %add3A_926 : i32 to vector<16xi32>
      %add3A_928 = arith.addi %add3A_881, %add3A_927 : vector<16xi32>
      tpu.vector_store_idx %arg19[%add3A_928], %add3A_919 masked %lt3A_925 : memref<6400xf32, #tpu.memory_space<vmem>>[vector<16xi32>], vector<16xf32>, vector<16xi1>
    }
    %scan3A_37 = arith.constant 128 : i32
    %broadcast_in_dim3A_38 = arith.constant 0.000000e+00 : f32
    %broadcast_in_dim3A_39 = vector.broadcast %broadcast_in_dim3A_38 : f32 to vector<16xf32>
    %scan3A_40 = arith.constant 0 : i32
    %scan3A_41 = arith.constant 400 : i32
    %scan3A_42 = arith.addi %scan3A_40, %scan3A_41 : i32
    %scan3A_43 = arith.constant 1 : i32
    %scan3A_44 = scf.for %scan3A_50 = %scan3A_40 to %scan3A_42 step %scan3A_43 iter_args(%scan3A_51 = %broadcast_in_dim3A_39) -> (vector<16xf32>)  : i32 {
      %mul3A_52 = arith.constant 16 : i32
      %mul3A_53 = arith.muli %scan3A_50, %mul3A_52 : i32
      %multiple_of3A = tpu.assume_multiple %mul3A_53, 16 : i32
      %get3A = arith.index_cast %multiple_of3A : i32 to index
      %get3A_54 = tpu.vector_load %arg19[%get3A] {strides = array<i32>} : memref<6400xf32, #tpu.memory_space<vmem>>, vector<16xf32>,
      %get3A_55 = arith.constant 0 : index
      %get3A_56 = tpu.vector_load %arg20[%get3A_55] {strides = array<i32>} : memref<16xf32, #tpu.memory_space<vmem>>, vector<16xf32>,
      %add3A_57 = arith.addf %get3A_54, %get3A_56 : vector<16xf32>
      %swap3A_58 = arith.index_cast %multiple_of3A : i32 to index
      %swap3A_59 = tpu.vector_load %arg19[%swap3A_58] {strides = array<i32>} : memref<6400xf32, #tpu.memory_space<vmem>>, vector<16xf32>,
      tpu.vector_store %arg19[%swap3A_58], %add3A_57 {strides = array<i32>} : memref<6400xf32, #tpu.memory_space<vmem>>, vector<16xf32>,
      %get3A_60 = arith.index_cast %multiple_of3A : i32 to index
      %get3A_61 = tpu.vector_load %arg18[%get3A_60] {strides = array<i32>} : memref<6400xf32, #tpu.memory_space<vmem>>, vector<16xf32>,
      %sub3A = arith.subf %add3A_57, %get3A_61 : vector<16xf32>
      %mul3A_62 = arith.mulf %sub3A, %sub3A : vector<16xf32>
      %add3A_63 = arith.addf %scan3A_51, %mul3A_62 : vector<16xf32>
      scf.yield %add3A_63 : vector<16xf32>
    }
    %scan3A_45 = arith.constant 400 : i32
    %mul3A_46 = arith.constant 4.88281239E-6 : f32
    %mul3A_47 = vector.broadcast %mul3A_46 : f32 to vector<16xf32>
    %mul3A_48 = arith.mulf %scan3A_44, %mul3A_47 : vector<16xf32>
    %swap3A = arith.constant 0 : index
    %swap3A_49 = tpu.vector_load %arg21[%swap3A] {strides = array<i32>} : memref<16xf32, #tpu.memory_space<vmem>>, vector<16xf32>,
    tpu.vector_store %arg21[%swap3A], %mul3A_48 {strides = array<i32>} : memref<16xf32, #tpu.memory_space<vmem>>, vector<16xf32>,
    "tpu.region"() ({
      %run_scoped3A = tpu.sem_alloc : memref<!tpu.dma_semaphore, #tpu.memory_space<semaphore_mem>>
      %dma_start3A_50 = arith.constant 0 : i32
      %dma_start3A_51 = tpu.memref_slice %arg10[%add3A, %dma_start3A_50] : memref<32x6400xf32, #tpu.memory_space<hbm>> -> memref<1x6400xf32, #tpu.memory_space<hbm>>
      %dma_start3A_52 = tpu.memref_squeeze %dma_start3A_51 : memref<1x6400xf32, #tpu.memory_space<hbm>> -> memref<6400xf32, #tpu.memory_space<hbm>>
      %dma_start3A_53 = arith.constant 0 : i32
      %dma_start3A_54 = tpu.memref_slice %arg10[%add3A, %dma_start3A_53] : memref<32x6400xf32, #tpu.memory_space<hbm>> -> memref<1x6400xf32, #tpu.memory_space<hbm>>
      %dma_start3A_55 = tpu.memref_squeeze %dma_start3A_54 : memref<1x6400xf32, #tpu.memory_space<hbm>> -> memref<6400xf32, #tpu.memory_space<hbm>>
      tpu.enqueue_dma source(%arg19 : memref<6400xf32, #tpu.memory_space<vmem>>) target(%dma_start3A_55 : memref<6400xf32, #tpu.memory_space<hbm>>) target_semaphore(%run_scoped3A : memref<!tpu.dma_semaphore, #tpu.memory_space<semaphore_mem>>)
      %dma_wait3A_56 = arith.constant 0 : i32
      %dma_wait3A_57 = tpu.memref_slice %arg10[%add3A, %dma_wait3A_56] : memref<32x6400xf32, #tpu.memory_space<hbm>> -> memref<1x6400xf32, #tpu.memory_space<hbm>>
      %dma_wait3A_58 = tpu.memref_squeeze %dma_wait3A_57 : memref<1x6400xf32, #tpu.memory_space<hbm>> -> memref<6400xf32, #tpu.memory_space<hbm>>
      %dma_wait3A_59 = arith.constant 0 : i32
      %dma_wait3A_60 = tpu.memref_slice %arg10[%add3A, %dma_wait3A_59] : memref<32x6400xf32, #tpu.memory_space<hbm>> -> memref<1x6400xf32, #tpu.memory_space<hbm>>
      %dma_wait3A_61 = tpu.memref_squeeze %dma_wait3A_60 : memref<1x6400xf32, #tpu.memory_space<hbm>> -> memref<6400xf32, #tpu.memory_space<hbm>>
      tpu.wait_dma2 semaphore(%run_scoped3A : memref<!tpu.dma_semaphore, #tpu.memory_space<semaphore_mem>>) src(%arg19 : memref<6400xf32, #tpu.memory_space<vmem>>) dst(%dma_wait3A_61 : memref<6400xf32, #tpu.memory_space<hbm>>)
      tpu.yield
    }) : () -> ()
    "tpu.region"() ({
      %run_scoped3A = tpu.sem_alloc : memref<!tpu.dma_semaphore, #tpu.memory_space<semaphore_mem>>
      %dma_start3A_50 = arith.constant 0 : i32
      %dma_start3A_51 = tpu.memref_slice %arg11[%add3A, %dma_start3A_50] : memref<32x16xf32, #tpu.memory_space<hbm>> -> memref<1x16xf32, #tpu.memory_space<hbm>>
      %dma_start3A_52 = tpu.memref_squeeze %dma_start3A_51 : memref<1x16xf32, #tpu.memory_space<hbm>> -> memref<16xf32, #tpu.memory_space<hbm>>
      %dma_start3A_53 = arith.constant 0 : i32
      %dma_start3A_54 = tpu.memref_slice %arg11[%add3A, %dma_start3A_53] : memref<32x16xf32, #tpu.memory_space<hbm>> -> memref<1x16xf32, #tpu.memory_space<hbm>>
      %dma_start3A_55 = tpu.memref_squeeze %dma_start3A_54 : memref<1x16xf32, #tpu.memory_space<hbm>> -> memref<16xf32, #tpu.memory_space<hbm>>
      tpu.enqueue_dma source(%arg21 : memref<16xf32, #tpu.memory_space<vmem>>) target(%dma_start3A_55 : memref<16xf32, #tpu.memory_space<hbm>>) target_semaphore(%run_scoped3A : memref<!tpu.dma_semaphore, #tpu.memory_space<semaphore_mem>>)
      %dma_wait3A_56 = arith.constant 0 : i32
      %dma_wait3A_57 = tpu.memref_slice %arg11[%add3A, %dma_wait3A_56] : memref<32x16xf32, #tpu.memory_space<hbm>> -> memref<1x16xf32, #tpu.memory_space<hbm>>
      %dma_wait3A_58 = tpu.memref_squeeze %dma_wait3A_57 : memref<1x16xf32, #tpu.memory_space<hbm>> -> memref<16xf32, #tpu.memory_space<hbm>>
      %dma_wait3A_59 = arith.constant 0 : i32
      %dma_wait3A_60 = tpu.memref_slice %arg11[%add3A, %dma_wait3A_59] : memref<32x16xf32, #tpu.memory_space<hbm>> -> memref<1x16xf32, #tpu.memory_space<hbm>>
      %dma_wait3A_61 = tpu.memref_squeeze %dma_wait3A_60 : memref<1x16xf32, #tpu.memory_space<hbm>> -> memref<16xf32, #tpu.memory_space<hbm>>
      tpu.wait_dma2 semaphore(%run_scoped3A : memref<!tpu.dma_semaphore, #tpu.memory_space<semaphore_mem>>) src(%arg21 : memref<16xf32, #tpu.memory_space<vmem>>) dst(%dma_wait3A_61 : memref<16xf32, #tpu.memory_space<hbm>>)
      tpu.yield
    }) : () -> ()
    return
  }
}

</mosaic_0001>

<sc_bundles>
// kernel: _mf_sc.3.cloned.1.call-start
scs
__scs_entry_jumppad:
0x0: {  	(pc) =	sbr.rel $0x88, $3  }
0x1: {  	(tag) =	ssettag $0x0;
	lr =	simm.s32 $0x1  }
0x2: {  	[smem:$0x3F99] =	sst lr;
	_ =	strace $0xD0000000  }
0x3: {  	_ = 	snop  }
0x4: {  	_ = 	snop  }
0x5: {  	_ = 	snop  }
0x6: {  	_ = 	snop  }
0x7: {  	_ = 	snop  }
__scs_overlays_trampoline_lowered:
0x8: {  	[smem:$0x3FA8] =	sst s0  }
0x9: {  	[smem:$0x3FA9] =	sst s1  }
0xa: {  	[smem:$0x3FAA] =	sst s2  }
0xb: {  	[smem:$0x3FAB] =	sst s3  }
0xc: {  	[smem:$0x3FAC] =	sst s4  }
0xd: {  	[smem:$0x3FAD] =	sst s5  }
0xe: {  	[smem:$0x3FAE] =	sst s6  }
0xf: {  	[smem:$0x3FAF] =	sst s7  }
0x10: {  	[smem:$0x3FB0] =	sst s8  }
0x11: {  	[smem:$0x3FB1] =	sst s9;
	s0 =	simm.s32 @!p0 $0x0  }
0x12: {  	s1 =	sld [smem:$0x3F97];
	s0 =	simm.s32 @p0 $0x1  }
0x13: {  	[smem:$0x3FB2] =	sst s0;
	s0 =	simm.s32 @!p1 $0x0  }
0x14: {  	s2 =	sld [smem:$0x3F96];
	s0 =	simm.s32 @p1 $0x1  }
0x15: {  	[smem:$0x3FB3] =	sst s0;
	s0 =	simm.s32 @!p2 $0x0  }
0x16: {  	s3 =	sld [smem:$0x3FDB];
	s0 =	simm.s32 @p2 $0x1  }
0x17: {  	s4 =	simm.s32 $0x1BF5;
	[smem:$0x3FB5] =	sst s0  }
0x18: {  	s0 =	sld [smem:$0x3F98];
	_ =	swait.ge [sflag:s4], $0x0  }
0x19: {  	s7 =	sld [smem:$0x3F99]  }
0x1a: {  	s8 =	sadd.s32 $0xFFFFE003, lr  }
0x1b: {  	s9 =	sadd.s32 $0xFFFFFEF7, lr;
	s5 =	simm.s32 $0xFFFFFFFF;
	p2 =	slt.u32 s8, $0xFFFFF086  }
0x1c: {  	p1 =	slt.u32 s9, $0xF7A;
	s5 =	simm.s32 @!p2 $0x0  }
0x1d: {  	s5 =	simm.s32 @p1 $0x1;
	p0 =	seq.s32 s7, s2  }
0x1e: {  	s7 =	smul.u32 @!p0 $0xF7A, s2;
	p2 =	seq.s32 @!p0 s5, $0x0  }
0x1f: {  	s9 =	smul.u32 $0xF7A, s1;
	s8 =	simm.s32 @!p0 $0x1BF5;
	p2 =	por !p2, p0  }
0x20: {  	[sflag:s8] =	ssyncset.s32 @!p0 $0xFFFFF086;
	s6 =	sadd.s32 @!p0 s3, s7;
	s7 =	simm.s32 @!p0 $0x108  }
0x21: {  	s3 =	sadd.s32 s3, s9;
	s6 =	sadd.s32 @!p0 $0x88, s6;
	s7 =	simm.s32 @p2 $0x1082  }
0x22: {  	[simem:s7], [sflag:s8] =	dma.local @!p0 [hbm:s6], $0xF7A  }
0x23: {  	s9 =	sor.u32 $0xD0000000, s2;
	s6 =	simm.s32 $0x108;
	_ =	swait.ge @!p0 [sflag:s8], $0x0  }
0x24: {  	s3 =	sadd.s32 $0x88, s3;
	s6 =	simm.s32 @!p1 $0x1082;
	[sflag:s4] =	ssyncset.s32 $0xFFFFF086  }
0x25: {  	[simem:s6], [sflag:s4] =	dma.local [hbm:s3], $0xF7A  }
0x26: {  	[smem:$0x3F99] =	sst s1;
	(tag) =	ssettag s2;
	_ =	strace s9  }
0x27: {  	s1 =	sld [smem:$0x3FA9]  }
0x28: {  	s2 =	sld [smem:$0x3FAA]  }
0x29: {  	s4 =	sld [smem:$0x3FAC]  }
0x2a: {  	p0 =	seq.s32 s5, $0x0;
	s5 =	sld [smem:$0x3FAD]  }
0x2b: {  	s6 =	sld [smem:$0x3FAE]  }
0x2c: {  	s7 =	sld [smem:$0x3FAF]  }
0x2d: {  	s3 =	simm.s32 $0x108;
	s8 =	sld [smem:$0x3FB0]  }
0x2e: {  	s3 =	simm.s32 @!p0 $0x1082;
	s9 =	sld [smem:$0x3FB1]  }
0x2f: {  	lr =	sadd.s32 s0, s3;
	s0 =	sld [smem:$0x3FA8]  }
0x30: {  	s3 =	sld [smem:$0x3FAB]  }
0x31: {  	[smem:$0x3FB4] =	sst s10  }
0x32: {  	s10 =	sld [smem:$0x3FB2];
	_ =	sdelay $0x3  }
0x33: {  	p0 =	seq.s32 s10, $0x1;
	s10 =	sld [smem:$0x3FB4];
	_ =	sdelay $0x3  }
0x34: {  	[smem:$0x3FB4] =	sst s10  }
0x35: {  	s10 =	sld [smem:$0x3FB3];
	_ =	sdelay $0x3  }
0x36: {  	p1 =	seq.s32 s10, $0x1;
	s10 =	sld [smem:$0x3FB4];
	_ =	sdelay $0x3  }
0x37: {  	[smem:$0x3FB4] =	sst s10  }
0x38: {  	s10 =	sld [smem:$0x3FB5]  }
0x39: {  	_ = 	snop;
	(pc) =	sbr.ind lr, $3  }
0x3a: {  	_ = 	snop  }
0x3b: {  	_ = 	snop  }
0x3c: {  	p2 =	seq.s32 s10, $0x1;
	s10 =	sld [smem:$0x3FB4]  }
0x3d: {  	_ =	shalt  }
0x3e: {  	_ =	shalt  }
0x3f: {  	_ =	shalt  }
0x40: {  	_ =	shalt  }
0x41: {  	_ =	shalt  }
0x42: {  	_ =	shalt  }
0x43: {  	_ =	shalt  }
0x44: {  	_ =	shalt  }
0x45: {  	_ =	shalt  }
0x46: {  	_ =	shalt  }
0x47: {  	_ =	shalt  }
0x48: {  	_ =	shalt  }
0x49: {  	_ =	shalt  }
0x4a: {  	_ =	shalt  }
0x4b: {  	_ =	shalt  }
0x4c: {  	_ =	shalt  }
0x4d: {  	_ =	shalt  }
0x4e: {  	_ =	shalt  }
0x4f: {  	_ =	shalt  }
0x50: {  	_ =	shalt  }
0x51: {  	_ =	shalt  }
0x52: {  	_ =	shalt  }
0x53: {  	_ =	shalt  }
0x54: {  	_ =	shalt  }
0x55: {  	_ =	shalt  }
0x56: {  	_ =	shalt  }
0x57: {  	_ =	shalt  }
0x58: {  	_ =	shalt  }
0x59: {  	_ =	shalt  }
0x5a: {  	_ =	shalt  }
0x5b: {  	_ =	shalt  }
0x5c: {  	_ =	shalt  }
0x5d: {  	_ =	shalt  }
0x5e: {  	_ =	shalt  }
0x5f: {  	_ =	shalt  }
0x60: {  	_ =	shalt  }
0x61: {  	_ =	shalt  }
0x62: {  	_ =	shalt  }
0x63: {  	_ =	shalt  }
0x64: {  	_ =	shalt  }
0x65: {  	_ =	shalt  }
0x66: {  	_ =	shalt  }
0x67: {  	_ =	shalt  }
0x68: {  	_ =	shalt  }
0x69: {  	_ =	shalt  }
0x6a: {  	_ =	shalt  }
0x6b: {  	_ =	shalt  }
0x6c: {  	_ =	shalt  }
0x6d: {  	_ =	shalt  }
0x6e: {  	_ =	shalt  }
0x6f: {  	_ =	shalt  }
0x70: {  	_ =	shalt  }
0x71: {  	_ =	shalt  }
0x72: {  	_ =	shalt  }
0x73: {  	_ =	shalt  }
0x74: {  	_ =	shalt  }
0x75: {  	_ =	shalt  }
0x76: {  	_ =	shalt  }
0x77: {  	_ =	shalt  }
0x78: {  	_ =	shalt  }
0x79: {  	_ =	shalt  }
0x7a: {  	_ =	shalt  }
0x7b: {  	_ =	shalt  }
0x7c: {  	_ =	shalt  }
0x7d: {  	_ =	shalt  }
0x7e: {  	_ =	shalt  }
0x7f: {  	_ =	shalt  }
0x80: {  	_ =	shalt  }
0x81: {  	_ =	shalt  }
0x82: {  	_ =	shalt  }
0x83: {  	_ =	shalt  }
0x84: {  	_ =	shalt  }
0x85: {  	_ =	shalt  }
0x86: {  	_ =	shalt  }
0x87: {  	_ =	shalt  }
.Lfunc_end0:
.L_simem_size_0:
called_computation_lowered:
.L_overlay_start_0:
0x88: {  	s2 =	sld [smem:$0x3FD9]  }
0x89: {  	s3 =	sld [smem:$0x3FFE];
	_ =	sdelay $0x1  }
0x8a: {  	s1 =	srdreg.scid  }
0x8b: {  	s0 =	sand.u32 $0x1, s1  }
0x8c: {  	s14 =	sshll.u32 s0, $0xA;
	s2 =	sadd.s32 s3, s2  }
0x8d: {  	s2 =	sadd.s32 s2, s14  }
0x8e: {  	[smem:$0x3FC0] =	sst s2  }
0x8f: {  	_ = 	snop  }
0x90: {  	s2 =	sld [smem:$0x3FC9]  }
0x91: {  	s15 =	sld [smem:$0x3FD0]  }
0x92: {  	s4 =	sld [smem:$0x3FC4]  }
0x93: {  	s5 =	sld [smem:$0x3FC3]  }
0x94: {  	s7 =	simm.s32 $0xA;
	s8 =	simm.s32 $0x10;
	s6 =	sld [smem:$0x3FC2]  }
0x95: {  	[smem:s8], [sflag:s7] =	dma.local [hbm:s15], $0x1  }
0x96: {  	_ =	swait.eq [sflag:s7], $0x1  }
0x97: {  	[sflag:s7] =	ssyncset.done $0x0  }
0x98: {  	s16 =	sld [smem:$0x10];
	[sflag:s7] =	ssyncadd.s32 $0xFFFFFFFF  }
0x99: {  	s17 =	sld [smem:$0x11];
	(tm) =	ssettm $0x1  }
0x9a: {  	s18 =	sld [smem:$0x3FFB];
	_ =	sdelay $0x3  }
0x9b: {  	_ =	strace s18  }
0x9c: {  	s8 =	sld [smem:$0x3FFC];
	_ =	sdelay $0x3  }
0x9d: {  	_ =	strace s8  }
0x9e: {  	s8 =	sld [smem:$0x3FFD];
	_ =	sdelay $0x3  }
0x9f: {  	_ =	strace s8  }
0xa0: {  	_ =	strace $0x8FFFFFFF  }
0xa1: {  	s19 =	sld [smem:$0x3FDB];
	_ =	sdelay $0x1  }
0xa2: {  	s9 =	simm.s32 $_scs_section_size  }
0xa3: {  	s10 =	simm.s32 $_size__tile_overlayer_lowered;
	s11 =	simm.s32 $_tile_overlayer_lowered  }
0xa4: {  	s22 =	simm.s32 $0x1BFF;
	s21 =	sshll.u32 s11, $0x1;
	s8 =	sadd.s32 s9, s19  }
0xa5: {  	s12 =	simm.s32 $0x0;
	s20 =	sshll.u32 s10, $0x1;
	s10 =	sadd.s32 s21, s8  }
0xa6: {  	[timem:s12], [sflag:s22] =	dma.local [hbm:s10], s20  }
0xa7: {  	_ =	swait.ge [sflag:s22], s20  }
0xa8: {  	s9 =	ssub.s32 $0x0, s20;
	[sflag:s22] =	ssyncset.done $0x0  }
0xa9: {  	[sflag:s22] =	ssyncadd.s32 s9;
	_ =	sdelay $0x1  }
0xaa: {  	s23 =	simm.s32 $0x1B8B  }
0xab: {  	_ =	swait.ge [sflag:s23], $0x1  }
0xac: {  	[sflag:s23] =	ssyncset.done $0x0  }
0xad: {  	s25 =	simm.s32 $0x1B8E;
	s24 =	sld [smem:$0x3FFE];
	[sflag:s23] =	ssyncadd.s32 $0xFFFFFFFF  }
0xae: {  	s26 =	simm.s32 $execute0_lowered;
	[smem:$0x3FD2] =	sst s25  }
0xaf: {  	s10 =	sshll.u32 s26, $0x1;
	_ =	strace $0x80000046;
	[dreg:$0x1] =	wrdreg $0xFFFFFFFF  }
0xb0: {  	s28 =	simm.s32 $_size_execute0_lowered;
	s8 =	sadd.s32 s8, s10;
	[dreg:$0x0] =	wrdreg $0x0  }
0xb1: {  	s10 =	sshll.u32 s28, $0x1;
	[dreg:$0x2] =	wrdreg s8  }
0xb2: {  	[dreg:$0x3] =	wrdreg s10  }
0xb3: {  	[dreg:$0x4] =	wrdreg $0xC0  }
0xb4: {  	_ =	task [dreg:s12], $0x5FFFF  }
0xb5: {  	[dreg:$0x1] =	wrdreg $0xFFFFFFFF  }
0xb6: {  	[dreg:$0x0] =	wrdreg $0x60  }
0xb7: {  	[dreg:$0x2] =	wrdreg s2  }
0xb8: {  	[dreg:$0x3] =	wrdreg s24  }
0xb9: {  	[dreg:$0x4] =	wrdreg s16  }
0xba: {  	[dreg:$0x5] =	wrdreg s4  }
0xbb: {  	[dreg:$0x6] =	wrdreg s5  }
0xbc: {  	[dreg:$0x7] =	wrdreg s6  }
0xbd: {  	[dreg:$0x8] =	wrdreg s17  }
0xbe: {  	[dreg:$0x9] =	wrdreg $0x9  }
0xbf: {  	_ =	task.clear_ibuf [dreg:s12], $0xAFFFF;
	_ =	strace $0x90000046  }
0xc0: {  	s29 =	simm.s32 $0x9;
	_ =	strace $0x80000048  }
0xc1: {  	_ =	swait.ge [sflag:s29], $0x1  }
0xc2: {  	[sflag:s29] =	ssyncadd.s32 $0xFFFFFFFF  }
0xc3: {  	_ =	strace $0x90000048  }
0xc4: {  	_ =	sfence  }
0xc5: {  	s30 =	sld [smem:$0x0];
	_ =	sdelay $0x2  }
0xc6: {  	s31 =	sshll.u32 s1, $0xD;
	s1 =	sshrl.u32 s1, $0x2  }
0xc7: {  	s3 =	sand.u32 $0x4000, s31;
	s1 =	sadd.s32 s1, s30  }
0xc8: {  	s0 =	sor.u32 s3, s0;
	s1 =	sshll.u32 s1, $0x11  }
0xc9: {  	s0 =	sor.u32 s1, s0  }
0xca: {  	s0 =	sadd.s32 $0x8F2B, s0  }
0xcb: {  	[sflag:s0] =	ssyncadd.remote.s32 $0x1  }
0xcc: {  	_ =	sfence.sel $0xFFFF  }
0xcd: {  	[dreg:$0x0] =	wrdreg $0xFFFFFFFF;
	(pc) =	sbr.abs _section_cstart, $3  }
0xce: {  	[dreg:$0x1] =	wrdreg $0xFFFFFFFF  }
0xcf: {  	_ =	task.clear_ibuf [dreg:s12], $0x2FFFF;
	_ =	strace $0x9FFFFFFF  }
0xd0: {  	(tm) =	ssettm $0x7FFFFFFF  }
0xd1: {  	_ =	shalt  }
tec
execute0_lowered:
.L_overlay_start_1:
0x0: {  	(tag) =	ssettag $0x1  }
0x1: {  	v0 =	vlaneseq.u32  }
0x2: {  	v1 =	vmul.u32 $0x20, v0;
	_ =	sdelay $0x1  }
0x3: {  	v2 =	vor.u32 $0x207, v1  }
0x4: {  	[tilespmem:$0x1FB40] =	vst v2;
	v2 =	vor.u32 $0x208, v1  }
0x5: {  	[tilespmem:$0x1FB50] =	vst v2;
	v2 =	vor.u32 $0x209, v1  }
0x6: {  	[tilespmem:$0x1FB60] =	vst v2;
	v2 =	vor.u32 $0x20A, v1  }
0x7: {  	[tilespmem:$0x1FB70] =	vst v2;
	v2 =	vor.u32 $0x20B, v1  }
0x8: {  	[tilespmem:$0x1FB80] =	vst v2;
	v2 =	vor.u32 $0x20C, v1  }
0x9: {  	[tilespmem:$0x1FB90] =	vst v2;
	v2 =	vor.u32 $0x20D, v1  }
0xa: {  	vm0 =	vcmask $0x300;
	[tilespmem:$0x1FBA0] =	vst v2;
	v2 =	vimm.s32 $0x620  }
0xb: {  	v3 =	vimm.s32 $0x621;
	v2 =	vsel vm0, $0x600, v2  }
0xc: {  	v4 =	vimm.s32 $0x622;
	[tilespmem:$0x1FBB0] =	vst v2;
	v2 =	vsel vm0, $0x601, v3  }
0xd: {  	[tilespmem:$0x1FBC0] =	vst v2;
	v2 =	vsel vm0, $0x602, v4  }
0xe: {  	[tilespmem:$0x1FBD0] =	vst v2;
	v2 =	vimm.s32 $0x623  }
0xf: {  	v3 =	vimm.s32 $0x624;
	v2 =	vsel vm0, $0x603, v2  }
0x10: {  	v4 =	vimm.s32 $0x625;
	[tilespmem:$0x1FBE0] =	vst v2;
	v2 =	vsel vm0, $0x604, v3  }
0x11: {  	[tilespmem:$0x1FBF0] =	vst v2;
	v2 =	vsel vm0, $0x605, v4  }
0x12: {  	[tilespmem:$0x1FC00] =	vst v2;
	v2 =	vimm.s32 $0x626  }
0x13: {  	v3 =	vimm.s32 $0x627;
	v2 =	vsel vm0, $0x606, v2  }
0x14: {  	v4 =	vimm.s32 $0x628;
	[tilespmem:$0x1FC10] =	vst v2;
	v2 =	vsel vm0, $0x607, v3  }
0x15: {  	[tilespmem:$0x1FC20] =	vst v2;
	v2 =	vsel vm0, $0x608, v4  }
0x16: {  	[tilespmem:$0x1FC30] =	vst v2;
	v2 =	vimm.s32 $0x629  }
0x17: {  	v3 =	vimm.s32 $0x62A;
	v2 =	vsel vm0, $0x609, v2  }
0x18: {  	v4 =	vimm.s32 $0x62B;
	[tilespmem:$0x1FC40] =	vst v2;
	v2 =	vsel vm0, $0x60A, v3  }
0x19: {  	s8 =	rddreg [dreg:$0x0];
	[tilespmem:$0x1FC50] =	vst v2;
	v2 =	vsel vm0, $0x60B, v4  }
0x1a: {  	s9 =	rddreg [dreg:$0x1];
	[tilespmem:$0x1FC60] =	vst v2;
	v2 =	vimm.s32 $0x62C  }
0x1b: {  	s10 =	rddreg [dreg:$0x2];
	v3 =	vimm.s32 $0x62D;
	v2 =	vsel vm0, $0x60C, v2  }
0x1c: {  	s0 =	rddreg [dreg:$0x3];
	v4 =	vimm.s32 $0x62E;
	[tilespmem:$0x1FC70] =	vst v2;
	v2 =	vsel vm0, $0x60D, v3  }
0x1d: {  	s1 =	rddreg [dreg:$0x4];
	[tilespmem:$0x1FC80] =	vst v2;
	v2 =	vsel vm0, $0x60E, v4  }
0x1e: {  	s2 =	rddreg [dreg:$0x5];
	[tilespmem:$0x1FC90] =	vst v2;
	v2 =	vimm.s32 $0x62F  }
0x1f: {  	s12 =	rddreg [dreg:$0x6];
	s5 =	simm.s32 $0x0;
	v2 =	vsel vm0, $0x60F, v2  }
0x20: {  	s4 =	srdreg.scid;
	[smem:$0x7FF] =	sst s5;
	v6 =	vor.u32 $0x1, v1;
	[tilespmem:$0x1FCA0] =	vst v2  }
0x21: {  	s6 =	sand.u32 $0x1, s4;
	s4 =	rddreg [dreg:$0x7];
	v9 =	vor.u32 $0x2, v1;
	_ =	strace $0x80000047;
	[tilespmem:$0x1FE10] =	vst v6  }
0x22: {  	v11 =	vor.u32 $0x3, v1;
	[tilespmem:$0x1FE20] =	vst v9  }
0x23: {  	v12 =	vor.u32 $0x4, v1;
	[tilespmem:$0x1FE30] =	vst v11  }
0x24: {  	v7 =	vor.u32 $0x5, v1;
	[tilespmem:$0x1FE40] =	vst v12  }
0x25: {  	v8 =	vor.u32 $0x6, v1;
	[tilespmem:$0x1FE50] =	vst v7  }
0x26: {  	v17 =	vor.u32 $0x9, v1;
	[tilespmem:$0x1FE60] =	vst v8  }
0x27: {  	v13 =	vor.u32 $0xA, v1;
	[tilespmem:$0x1FE70] =	vst v17  }
0x28: {  	v10 =	vor.u32 $0x7, v1;
	[tilespmem:$0x1FE80] =	vst v13  }
0x29: {  	v18 =	vor.u32 $0xC, v1;
	[tilespmem:$0x1FE90] =	vst v10  }
0x2a: {  	v19 =	vor.u32 $0xF, v1;
	[tilespmem:$0x1FEA0] =	vst v18  }
0x2b: {  	v36 =	vor.u32 $0x200, v1;
	[tilespmem:$0x1FEB0] =	vst v19  }
0x2c: {  	v15 =	vor.u32 $0xD, v1;
	[tilespmem:$0x1FEC0] =	vst v36  }
0x2d: {  	v38 =	vor.u32 $0x202, v1;
	[tilespmem:$0x1FED0] =	vst v15  }
0x2e: {  	v40 =	vor.u32 $0x203, v1;
	[tilespmem:$0x1FEE0] =	vst v38  }
0x2f: {  	v0 =	vor.u32 $0x8, v1;
	[tilespmem:$0x1FEF0] =	vst v40  }
0x30: {  	v37 =	vor.u32 $0x201, v1;
	[tilespmem:$0x1FF00] =	vst v0  }
0x31: {  	v5 =	vor.u32 $0x206, v1;
	v3 =	vimm.s32 $0x630;
	[tilespmem:$0x1FF10] =	vst v37  }
0x32: {  	v4 =	vimm.s32 $0x631;
	v53 =	vsel vm0, $0x610, v3;
	[tilespmem:$0x1FF20] =	vst v5  }
0x33: {  	v3 =	vimm.s32 $0x633;
	v55 =	vsel vm0, $0x611, v4;
	[tilespmem:$0x1FF30] =	vst v53  }
0x34: {  	v57 =	vsel vm0, $0x613, v3;
	[tilespmem:$0x1FF40] =	vst v55  }
0x35: {  	v14 =	vor.u32 $0xB, v1;
	v4 =	vimm.s32 $0x634;
	[tilespmem:$0x1FF60] =	vst v57  }
0x36: {  	v3 =	vimm.s32 $0x636;
	v58 =	vsel vm0, $0x614, v4;
	[tilespmem:$0x1FF70] =	vst v14  }
0x37: {  	v4 =	vimm.s32 $0x637;
	v52 =	vsel vm0, $0x616, v3;
	[tilespmem:$0x1FF80] =	vst v58  }
0x38: {  	v2 =	vimm.s32 $0x632;
	v54 =	vsel vm0, $0x617, v4;
	[tilespmem:$0x1FF90] =	vst v52  }
0x39: {  	v56 =	vsel vm0, $0x612, v2;
	v2 =	vimm.s32 $0x635;
	[tilespmem:$0x1FFA0] =	vst v54  }
0x3a: {  	v4 =	vimm.s32 $0x63A;
	v59 =	vsel vm0, $0x615, v2;
	v2 =	vimm.s32 $0x638;
	[tilespmem:$0x1FF50] =	vst v56  }
0x3b: {  	v60 =	vsel vm0, $0x618, v2;
	v2 =	vsel vm0, $0x61A, v4;
	[tilespmem:$0x1FFB0] =	vst v59  }
0x3c: {  	v4 =	vimm.s32 $0x63D;
	[tilespmem:$0x1FCB0] =	vst v2  }
0x3d: {  	v2 =	vimm.s32 $0x63B;
	v44 =	vsel vm0, $0x61D, v4;
	[tilespmem:$0x1FFC0] =	vst v60  }
0x3e: {  	v3 =	vimm.s32 $0x639;
	v4 =	vimm.s32 $0x31;
	v2 =	vsel vm0, $0x61B, v2;
	[tilespmem:$0x1FFD0] =	vst v44  }
0x3f: {  	v61 =	vsel vm0, $0x619, v3;
	v3 =	vimm.s32 $0x63C;
	v24 =	vsel vm0, $0x30, v4;
	[tilespmem:$0x1FCC0] =	vst v2  }
0x40: {  	v2 =	vsel vm0, $0x61C, v3;
	v3 =	vimm.s32 $0x63F;
	[tilespmem:$0x1FFF0] =	vst v24  }
0x41: {  	[tilespmem:$0x1FCD0] =	vst v2;
	v2 =	vimm.s32 $0x63E;
	v42 =	vsel vm0, $0x61F, v3  }
0x42: {  	v2 =	vsel vm0, $0x61E, v2;
	[tilespmem:$0x1FFE0] =	vst v42  }
0x43: {  	[tilespmem:$0x1FCE0] =	vst v2;
	v2 =	vor.u32 $0x20E, v1  }
0x44: {  	[tilespmem:$0x1FCF0] =	vst v2;
	v2 =	vor.u32 $0x20F, v1  }
0x45: {  	[tilespmem:$0x1FD00] =	vst v2;
	v2 =	vor.u32 $0x400, v1  }
0x46: {  	[tilespmem:$0x1FD10] =	vst v2;
	v2 =	vor.u32 $0x401, v1  }
0x47: {  	[tilespmem:$0x1FD20] =	vst v2;
	v2 =	vor.u32 $0x402, v1  }
0x48: {  	[tilespmem:$0x1FD30] =	vst v2;
	v2 =	vor.u32 $0x403, v1  }
0x49: {  	[tilespmem:$0x1FD40] =	vst v2;
	v2 =	vor.u32 $0x404, v1  }
0x4a: {  	s3 =	stileid.u32;
	[tilespmem:$0x1FD50] =	vst v2;
	v2 =	vor.u32 $0x405, v1  }
0x4b: {  	s18 =	simm.s32 $0x1;
	s19 =	simm.s32 $0x2C80;
	s20 =	simm.s32 $0x32;
	[tilespmem:$0x1FD60] =	vst v2;
	v2 =	vor.u32 $0x406, v1  }
0x4c: {  	s21 =	simm.s32 $0x2D00;
	s22 =	simm.s32 $0x3340;
	s23 =	simm.s32 $0x2;
	[tilespmem:$0x1FD70] =	vst v2;
	v2 =	vor.u32 $0x407, v1  }
0x4d: {  	s24 =	simm.s32 $0x3;
	s25 =	simm.s32 $0x4C78;
	s7 =	sshll.u32 s3, $0x1;
	[tilespmem:$0x1FD80] =	vst v2;
	v2 =	vor.u32 $0x408, v1  }
0x4e: {  	s26 =	simm.s32 $0x6588;
	s28 =	simm.s32 $0x0;
	s11 =	sor.u32 s6, s7;
	[tilespmem:$0x1FD90] =	vst v2;
	v2 =	vor.u32 $0x409, v1  }
0x4f: {  	s15 =	ssub.s32 $0x2, s6;
	s6 =	sadd.s32 $0x1313A00, s9;
	s7 =	smul.u32 $0x380, s11;
	[tilespmem:$0x1FDA0] =	vst v2;
	v2 =	vor.u32 $0x40A, v1  }
0x50: {  	s14 =	smul.u32 $0x320, s11;
	s16 =	sshrl.u32 s15, $0x1;
	s30 =	sshll.u32 s11, $0x4;
	[tilespmem:$0x1FDB0] =	vst v2;
	v2 =	vor.u32 $0x40B, v1  }
0x51: {  	s31 =	sshll.u32 s11, $0x1;
	s15 =	ssub.s32 s15, s16;
	s8 =	sadd.s32 s8, s30;
	[tilespmem:$0x1FDC0] =	vst v2;
	v2 =	vor.u32 $0x40C, v1  }
0x52: {  	s12 =	sadd.s32 s12, s31;
	s16 =	simm.s32 $0x6578;
	s13 =	sadd.s32 s7, s9;
	[tilespmem:$0x1FDD0] =	vst v2;
	v2 =	vor.u32 $0x40D, v1  }
0x53: {  	s7 =	sadd.s32 $0xF43000, s9;
	s17 =	sadd.s32 s14, s9;
	s10 =	sadd.s32 s10, s14;
	[tilespmem:$0x1FDE0] =	vst v2;
	v2 =	vor.u32 $0x40E, v1  }
0x54: {  	s14 =	simm.s32 $0x4;
	s9 =	sadd.s32 $0xC00, s13;
	s11 =	sadd.s32 $0x7C00, s17;
	[tilespmem:$0x1FDF0] =	vst v2;
	v2 =	vor.u32 $0x40F, v1  }
0x55: {  	v16 =	vor.u32 $0xE, v1;
	v62 =	vor.u32 $0x204, v1;
	v63 =	vor.u32 $0x205, v1;
	s13 =	smax.u32 s15, $0x1;
	s15 =	simm.s32 $0x3378;
	s17 =	simm.s32 $0x1C80;
	[tilespmem:$0x1FE00] =	vst v2  }
.LBB2_1:
0x56: {  	[tilespmem:s5], [sflag:$0x4] =	stream.linear.gather [hbm4b:s8+s5], $0x80, $0x38;
	[tilespmem:$0x6598] =	vst v63  }
0x57: {  	_ =	swait.ge [sflag:s14], $0x80  }
0x58: {  	[sflag:s14] =	ssyncset.done $0x0  }
0x59: {  	s29 =	simm.s32 $0x80;
	[sflag:s14] =	ssyncadd.s32 $0xFFFFFF80  }
0x5a: {  	[tilespmem:s29], [sflag:$0x4] =	stream.linear.gather [hbm4b:s9+s5], $0x1C00, $0x38;
	[tilespmem:$0x6598] =	vst v63  }
0x5b: {  	_ =	swait.ge [sflag:s14], $0x1C00  }
0x5c: {  	[sflag:s14] =	ssyncset.done $0x0  }
0x5d: {  	[sflag:s14] =	ssyncadd.s32 $0xFFFFE400  }
0x5e: {  	[tilespmem:s15], [sflag:$0x4] =	stream.linear.gather [hbm4b:s10+s5], $0x1900, $0x38;
	[tilespmem:$0x6598] =	vst v63  }
0x5f: {  	_ =	swait.ge [sflag:s14], $0x1900  }
0x60: {  	[sflag:s14] =	ssyncset.done $0x0  }
0x61: {  	[sflag:s14] =	ssyncadd.s32 $0xFFFFE700  }
0x62: {  	[tilespmem:s16], [sflag:$0x4] =	stream.linear.gather [hbm4b:s2+s5], $0x10, $0x38;
	[tilespmem:$0x6598] =	vst v63  }
0x63: {  	_ =	swait.ge [sflag:s14], $0x10  }
0x64: {  	[sflag:s14] =	ssyncset.done $0x0  }
0x65: {  	[sflag:s14] =	ssyncadd.s32 $0xFFFFFFF0  }
0x66: {  	[tilespmem:s17], [sflag:$0x1] =	stream.indirect.gather [hbm4b:s6+s29], $0x20, s5, s29, $0xb8;
	[tilespmem:$0x6598] =	vst v63  }
0x67: {  	_ =	swait.ge [sflag:s18], $0x1000  }
0x68: {  	[sflag:s18] =	ssyncset.done $0x0  }
0x69: {  	[sflag:s18] =	ssyncadd.s32 $0xFFFFF000  }
0x6a: {  	[tilespmem:s19], [sflag:$0x1] =	stream.indirect.gather [hbm4b:s0+s29], $0x1, s5, s29, $0xb8;
	[tilespmem:$0x6598] =	vst v63  }
0x6b: {  	_ =	swait.ge [sflag:s18], $0x80  }
0x6c: {  	[sflag:s18] =	ssyncset.done $0x0  }
0x6d: {  	s30 =	simm.s32 $0x0;
	s31 =	simm.s32 $0x0;
	[sflag:s18] =	ssyncadd.s32 $0xFFFFFF80  }
.LBB2_2:
0x6e: {  	[tilespmem:s21], [sflag:$0x2] =	stream.indirect.gather [hbm4b:s7+s20], $0x20, s29, s20, $0xb8;
	[tilespmem:$0x6598] =	vst v63  }
0x6f: {  	_ = 	snop  }
0x70: {  	[tilespmem:s22], [sflag:$0x3] =	stream.indirect.gather [hbm4b:s1+s20], $0x1, s29, s20, $0xb8;
	[tilespmem:$0x6598] =	vst v63  }
0x71: {  	_ =	swait.ge [sflag:s23], $0x640  }
0x72: {  	v20 =	vmov s31;
	[sflag:s23] =	ssyncset.done $0x0  }
0x73: {  	v21 =	vshll.u32 v20, $0x5;
	[sflag:s23] =	ssyncadd.s32 $0xFFFFF9C0  }
0x74: {  	v22 =	vor.u32 $0x1, v21;
	_ =	swait.ge [sflag:s24], $0x32  }
0x75: {  	v23 =	vor.u32 $0x2, v21;
	[sflag:s24] =	ssyncset.done $0x0  }
0x76: {  	v24 =	vor.u32 $0x3, v21;
	[sflag:s24] =	ssyncadd.s32 $0xFFFFFFCE  }
0x77: {  	v25 =	vor.u32 $0x4, v21;
	v20 =	vld.idx.msk [tilespmem:v20+s19+$0x0], $0xffff  }
0x78: {  	v27 =	vor.u32 $0x5, v21;
	v26 =	vld.idx.msk [tilespmem:v21+s17+$0x0], $0xffff  }
0x79: {  	v28 =	vor.u32 $0x6, v21;
	v22 =	vld.idx.msk [tilespmem:v22+s17+$0x0], $0xffff  }
0x7a: {  	v30 =	vor.u32 $0x8, v21;
	v23 =	vld.idx.msk [tilespmem:v23+s17+$0x0], $0xffff  }
0x7b: {  	v32 =	vor.u32 $0xA, v21;
	v24 =	vld.idx.msk [tilespmem:v24+s17+$0x0], $0xffff  }
0x7c: {  	v33 =	vor.u32 $0xB, v21;
	v25 =	vld.idx.msk [tilespmem:v25+s17+$0x0], $0xffff  }
0x7d: {  	v59 =	vor.u32 $0xD, v21;
	v27 =	vld.idx.msk [tilespmem:v27+s17+$0x0], $0xffff  }
0x7e: {  	v35 =	vor.u32 $0xE, v21;
	v28 =	vld.idx.msk [tilespmem:v28+s17+$0x0], $0xffff  }
0x7f: {  	v60 =	vor.u32 $0xF, v21;
	v39 =	vld.idx.msk [tilespmem:v30+s17+$0x0], $0xffff  }
0x80: {  	v41 =	vld.idx.msk [tilespmem:v32+s17+$0x0], $0xffff  }
0x81: {  	v42 =	vld.idx.msk [tilespmem:v33+s17+$0x0], $0xffff  }
0x82: {  	v45 =	vld.idx.msk [tilespmem:v59+s17+$0x0], $0xffff  }
0x83: {  	v47 =	vld.idx.msk [tilespmem:v35+s17+$0x0], $0xffff  }
0x84: {  	v48 =	vld.idx.msk [tilespmem:v60+s17+$0x0], $0xffff  }
0x85: {  	v30 =	vld.idx.msk [tilespmem:v1+s21+$0x0], $0xffff  }
0x86: {  	v32 =	vld.idx.msk [tilespmem:v6+s21+$0x0], $0xffff  }
0x87: {  	v33 =	vld.idx.msk [tilespmem:v9+s21+$0x0], $0xffff  }
0x88: {  	v35 =	vld.idx.msk [tilespmem:v11+s21+$0x0], $0xffff  }
0x89: {  	v50 =	vld.idx.msk [tilespmem:v0+s21+$0x0], $0xffff  }
0x8a: {  	v0 =	vmov v61;
	v61 =	vld.idx.msk [tilespmem:v40+s21+$0x0], $0xffff;
	v40 =	vadd.f32 v26, v20  }
0x8b: {  	v43 =	vld.idx.msk [tilespmem:v12+s21+$0x0], $0xffff  }
0x8c: {  	v60 =	vld.idx.msk [tilespmem:v38+s21+$0x0], $0xffff;
	v38 =	vadd.f32 v22, v20;
	v30 =	vmul.f32 v30, v40  }
0x8d: {  	v57 =	vld.idx.msk [tilespmem:v19+s21+$0x0], $0xffff  }
0x8e: {  	v59 =	vld.idx.msk [tilespmem:v37+s21+$0x0], $0xffff;
	v37 =	vadd.f32 v23, v20;
	v32 =	vmul.f32 v32, v38;
	v22 =	vadd.f32 $0.0e+00, v30  }
0x8f: {  	v58 =	vld.idx.msk [tilespmem:v36+s21+$0x0], $0xffff  }
0x90: {  	v19 =	vld [tilespmem:$0x1FDA0];
	v36 =	vadd.f32 v24, v20;
	v24 =	vmul.f32 v33, v37;
	v22 =	vadd.f32 v32, v22  }
0x91: {  	v44 =	vld.idx.msk [tilespmem:v7+s21+$0x0], $0xffff  }
0x92: {  	v33 =	vadd.f32 v25, v20;
	v26 =	vmul.f32 v35, v36;
	v22 =	vadd.f32 v24, v22;
	_ =	sdelay $0x1  }
0x93: {  	v32 =	vadd.f32 v27, v20;
	v27 =	vmul.f32 v43, v33;
	v22 =	vadd.f32 v26, v22;
	_ =	sdelay $0x1  }
0x94: {  	v30 =	vadd.f32 v28, v20;
	v28 =	vmul.f32 v44, v32;
	v23 =	vadd.f32 v27, v22;
	_ =	sdelay $0x1  }
0x95: {  	v24 =	vadd.f32 v28, v23;
	v23 =	vadd.f32 v39, v20;
	v39 =	vmul.f32 v61, v36;
	v61 =	vld.idx.msk [tilespmem:v19+s21+$0x0], $0xffff  }
0x96: {  	v19 =	vld [tilespmem:$0x1FDB0]  }
0x97: {  	v46 =	vld.idx.msk [tilespmem:v8+s21+$0x0], $0xffff;
	_ =	sdelay $0x4  }
0x98: {  	v44 =	vmul.f32 v46, v30  }
0x99: {  	v31 =	vor.u32 $0x9, v21  }
0x9a: {  	v27 =	vadd.f32 v44, v24;
	v44 =	vmul.f32 v50, v23;
	v50 =	vld.idx.msk [tilespmem:v19+s21+$0x0], $0xffff  }
0x9b: {  	v43 =	vadd.f32 $0.0e+00, v40;
	v19 =	vld [tilespmem:$0x1FDC0]  }
0x9c: {  	v29 =	vor.u32 $0x7, v21  }
0x9d: {  	v25 =	vadd.f32 v38, v43;
	v26 =	vmul.f32 v58, v40  }
0x9e: {  	v31 =	vld.idx.msk [tilespmem:v31+s17+$0x0], $0xffff  }
0x9f: {  	v46 =	vmul.f32 v59, v38;
	v25 =	vadd.f32 v37, v25;
	v26 =	vadd.f32 $0.0e+00, v26;
	_ =	sdelay $0x1  }
0xa0: {  	v29 =	vld.idx.msk [tilespmem:v29+s17+$0x0], $0xffff;
	v26 =	vadd.f32 v46, v26;
	v46 =	vadd.f32 v36, v25  }
0xa1: {  	v49 =	vld.idx.msk [tilespmem:v10+s21+$0x0], $0xffff  }
0xa2: {  	v24 =	vadd.f32 v31, v20;
	v31 =	vadd.f32 v33, v46;
	v46 =	vld.idx.msk [tilespmem:v19+s21+$0x0], $0xffff  }
0xa3: {  	v34 =	vor.u32 $0xC, v21;
	v19 =	vld [tilespmem:$0x1FDD0];
	_ =	sdelay $0x1  }
0xa4: {  	v22 =	vadd.f32 v29, v20  }
0xa5: {  	v3 =	vld [tilespmem:$0x1FB40]  }
0xa6: {  	v4 =	vld [tilespmem:$0x1FB50];
	v29 =	vmul.f32 v49, v22  }
0xa7: {  	v34 =	vld.idx.msk [tilespmem:v34+s17+$0x0], $0xffff  }
0xa8: {  	v51 =	vld.idx.msk [tilespmem:v17+s21+$0x0], $0xffff;
	v27 =	vadd.f32 v29, v27  }
0xa9: {  	v52 =	vld.idx.msk [tilespmem:v13+s21+$0x0], $0xffff  }
0xaa: {  	v27 =	vadd.f32 v44, v27;
	v44 =	vld.idx.msk [tilespmem:v19+s21+$0x0], $0xffff  }
0xab: {  	v19 =	vld [tilespmem:$0x1FDE0]  }
0xac: {  	v53 =	vld.idx.msk [tilespmem:v14+s21+$0x0], $0xffff  }
0xad: {  	v54 =	vld.idx.msk [tilespmem:v18+s21+$0x0], $0xffff  }
0xae: {  	v55 =	vld.idx.msk [tilespmem:v15+s21+$0x0], $0xffff  }
0xaf: {  	v56 =	vld.idx.msk [tilespmem:v16+s21+$0x0], $0xffff;
	v43 =	vmul.f32 v60, v37  }
0xb0: {  	v17 =	vmov v62;
	v62 =	vld.idx.msk [tilespmem:v62+s21+$0x0], $0xffff  }
0xb1: {  	v18 =	vmov v63;
	v63 =	vld.idx.msk [tilespmem:v63+s21+$0x0], $0xffff;
	v26 =	vadd.f32 v43, v26;
	v43 =	vmul.f32 v51, v24  }
0xb2: {  	v2 =	vld.idx.msk [tilespmem:v5+s21+$0x0], $0xffff  }
0xb3: {  	v29 =	vadd.f32 v43, v27;
	v43 =	vld.idx.msk [tilespmem:v19+s21+$0x0], $0xffff  }
0xb4: {  	v19 =	vld [tilespmem:$0x1FDF0]  }
0xb5: {  	v5 =	vld [tilespmem:$0x1FB60]  }
0xb6: {  	v6 =	vld [tilespmem:$0x1FB70]  }
0xb7: {  	v7 =	vld [tilespmem:$0x1FB80]  }
0xb8: {  	v8 =	vld [tilespmem:$0x1FB90]  }
0xb9: {  	v9 =	vld [tilespmem:$0x1FBA0]  }
0xba: {  	v10 =	vld [tilespmem:$0x1FCF0]  }
0xbb: {  	v11 =	vld [tilespmem:$0x1FD00]  }
0xbc: {  	v28 =	vadd.f32 v39, v26;
	v26 =	vadd.f32 v42, v20;
	v42 =	vld.idx.msk [tilespmem:v19+s21+$0x0], $0xffff  }
0xbd: {  	v19 =	vld [tilespmem:$0x1FE00]  }
0xbe: {  	v12 =	vld [tilespmem:$0x1FD20]  }
0xbf: {  	v13 =	vld [tilespmem:$0x1FD30]  }
0xc0: {  	v14 =	vld [tilespmem:$0x1FD40]  }
0xc1: {  	v15 =	vld [tilespmem:$0x1FD60]  }
0xc2: {  	v3 =	vld.idx.msk [tilespmem:v3+s21+$0x0], $0xffff  }
0xc3: {  	v4 =	vld.idx.msk [tilespmem:v4+s21+$0x0], $0xffff  }
0xc4: {  	v5 =	vld.idx.msk [tilespmem:v5+s21+$0x0], $0xffff  }
0xc5: {  	v39 =	vld.idx.msk [tilespmem:v19+s21+$0x0], $0xffff  }
0xc6: {  	v19 =	vld [tilespmem:$0x1FBB0]  }
0xc7: {  	v6 =	vld.idx.msk [tilespmem:v6+s21+$0x0], $0xffff  }
0xc8: {  	v7 =	vld.idx.msk [tilespmem:v7+s21+$0x0], $0xffff  }
0xc9: {  	v35 =	vld.idx.msk [tilespmem:v11+s21+$0x0], $0xffff  }
0xca: {  	v11 =	vld [tilespmem:$0x1FD10];
	v25 =	vadd.f32 v41, v20;
	v51 =	vmul.f32 v62, v33  }
0xcb: {  	v59 =	vld.idx.msk [tilespmem:v15+s21+$0x0], $0xffff  }
0xcc: {  	v15 =	vld [tilespmem:$0x1FD70];
	v41 =	vmul.f32 v52, v25;
	v52 =	vmul.f32 v63, v32;
	v28 =	vadd.f32 v51, v28  }
0xcd: {  	v8 =	vld.idx.msk [tilespmem:v8+s21+$0x0], $0xffff  }
0xce: {  	v62 =	vadd.f32 v52, v28;
	v52 =	vld.idx.msk [tilespmem:v19+s21+$0x0], $0xffff  }
0xcf: {  	v19 =	vld [tilespmem:$0x1FBC0]  }
0xd0: {  	v58 =	vld.idx.msk [tilespmem:v14+s21+$0x0], $0xffff  }
0xd1: {  	v14 =	vld [tilespmem:$0x1FD50]  }
0xd2: {  	v11 =	vld.idx.msk [tilespmem:v11+s21+$0x0], $0xffff  }
0xd3: {  	v12 =	vld.idx.msk [tilespmem:v12+s21+$0x0], $0xffff  }
0xd4: {  	v49 =	vld.idx.msk [tilespmem:v15+s21+$0x0], $0xffff  }
0xd5: {  	v15 =	vld [tilespmem:$0x1FD80];
	v53 =	vmul.f32 v53, v26;
	v29 =	vadd.f32 v41, v29  }
0xd6: {  	v13 =	vld.idx.msk [tilespmem:v13+s21+$0x0], $0xffff  }
0xd7: {  	v11 =	vmul.f32 v11, v40;
	v29 =	vadd.f32 v53, v29;
	v53 =	vld.idx.msk [tilespmem:v19+s21+$0x0], $0xffff  }
0xd8: {  	v19 =	vld [tilespmem:$0x1FBD0]  }
0xd9: {  	v9 =	vld.idx.msk [tilespmem:v9+s21+$0x0], $0xffff;
	v12 =	vmul.f32 v12, v38;
	v11 =	vadd.f32 $0.0e+00, v11  }
0xda: {  	v14 =	vld.idx.msk [tilespmem:v14+s21+$0x0], $0xffff  }
0xdb: {  	v10 =	vld.idx.msk [tilespmem:v10+s21+$0x0], $0xffff;
	v11 =	vadd.f32 v12, v11;
	v12 =	vmul.f32 v13, v37  }
0xdc: {  	v13 =	vld [tilespmem:$0x1FC50]  }
0xdd: {  	v2 =	vmul.f32 v2, v30;
	v11 =	vadd.f32 v12, v11;
	v12 =	vmul.f32 v58, v36;
	v60 =	vld.idx.msk [tilespmem:v15+s21+$0x0], $0xffff  }
0xde: {  	v3 =	vmul.f32 v3, v22;
	v27 =	vadd.f32 v34, v20;
	v15 =	vld [tilespmem:$0x1FD90]  }
0xdf: {  	v2 =	vadd.f32 v2, v62;
	v11 =	vadd.f32 v12, v11;
	v12 =	vmul.f32 v14, v33;
	v14 =	vld [tilespmem:$0x1FC90]  }
0xe0: {  	v31 =	vadd.f32 v32, v31;
	v63 =	vmul.f32 v54, v27;
	v54 =	vld.idx.msk [tilespmem:v19+s21+$0x0], $0xffff  }
0xe1: {  	v2 =	vadd.f32 v3, v2;
	v3 =	vmul.f32 v4, v23;
	v19 =	vld [tilespmem:$0x1FBF0]  }
0xe2: {  	v31 =	vadd.f32 v30, v31;
	v4 =	vld [tilespmem:$0x1FBE0]  }
0xe3: {  	v28 =	vadd.f32 v45, v20;
	v2 =	vadd.f32 v3, v2;
	v3 =	vmul.f32 v5, v24;
	v5 =	vld [tilespmem:$0x1FC00]  }
0xe4: {  	v45 =	vadd.f32 v22, v31;
	v31 =	vadd.f32 v47, v20;
	v13 =	vld.idx.msk [tilespmem:v13+s21+$0x0], $0xffff  }
0xe5: {  	v51 =	vmul.f32 v55, v28;
	v2 =	vadd.f32 v3, v2;
	v3 =	vmul.f32 v6, v25;
	v6 =	vld [tilespmem:$0x1FC20]  }
0xe6: {  	v41 =	vadd.f32 v23, v45;
	v11 =	vadd.f32 v12, v11;
	v12 =	vmul.f32 v59, v32;
	v15 =	vld.idx.msk [tilespmem:v15+s21+$0x0], $0xffff  }
0xe7: {  	v29 =	vadd.f32 v63, v29;
	v2 =	vadd.f32 v3, v2;
	v3 =	vmul.f32 v7, v26;
	v7 =	vld [tilespmem:$0x1FC40]  }
0xe8: {  	v11 =	vadd.f32 v12, v11;
	v12 =	vmul.f32 v49, v30;
	v49 =	vor.u32 $0x17, v21;
	v45 =	vld.idx.msk [tilespmem:v14+s21+$0x0], $0xffff  }
0xe9: {  	v62 =	vmul.f32 v56, v31;
	v34 =	vadd.f32 v51, v29;
	v29 =	vadd.f32 v48, v20;
	v55 =	vld.idx.msk [tilespmem:v19+s21+$0x0], $0xffff  }
0xea: {  	v19 =	vld [tilespmem:$0x1FC10]  }
0xeb: {  	v34 =	vadd.f32 v62, v34;
	v63 =	vmul.f32 v57, v29;
	v62 =	vor.u32 $0x10, v21;
	v4 =	vld.idx.msk [tilespmem:v4+s21+$0x0], $0xffff  }
0xec: {  	v14 =	vor.u32 $0x13, v21;
	v2 =	vadd.f32 v3, v2;
	v3 =	vmul.f32 v8, v27;
	v8 =	vld [tilespmem:$0x1FC60]  }
0xed: {  	v34 =	vadd.f32 v63, v34;
	v63 =	vld.idx.msk [tilespmem:v49+s17+$0x0], $0xffff  }
0xee: {  	v5 =	vld.idx.msk [tilespmem:v5+s21+$0x0], $0xffff  }
0xef: {  	v2 =	vadd.f32 v3, v2;
	v3 =	vmul.f32 v9, v28;
	v9 =	vld [tilespmem:$0x1FC80]  }
0xf0: {  	v58 =	vor.u32 $0x11, v21;
	v59 =	vld.idx.msk [tilespmem:v62+s17+$0x0], $0xffff  }
0xf1: {  	v14 =	vld.idx.msk [tilespmem:v14+s17+$0x0], $0xffff  }
0xf2: {  	v56 =	vld.idx.msk [tilespmem:v19+s21+$0x0], $0xffff  }
0xf3: {  	v2 =	vadd.f32 v3, v2;
	v3 =	vmul.f32 v10, v31;
	v19 =	vld [tilespmem:$0x1FC30]  }
0xf4: {  	v11 =	vadd.f32 v12, v11;
	v12 =	vmul.f32 v60, v22;
	v62 =	vor.u32 $0x15, v21;
	v6 =	vld.idx.msk [tilespmem:v6+s21+$0x0], $0xffff  }
0xf5: {  	v2 =	vadd.f32 v3, v2;
	v3 =	vld.idx.msk [tilespmem:v58+s17+$0x0], $0xffff;
	v58 =	vor.u32 $0x16, v21  }
0xf6: {  	v11 =	vadd.f32 v12, v11;
	v15 =	vmul.f32 v15, v23;
	v10 =	vld [tilespmem:$0x1FCA0]  }
0xf7: {  	v41 =	vadd.f32 v24, v41;
	v7 =	vld.idx.msk [tilespmem:v7+s21+$0x0], $0xffff  }
0xf8: {  	v11 =	vadd.f32 v15, v11;
	v15 =	vmul.f32 v61, v24;
	v8 =	vld.idx.msk [tilespmem:v8+s21+$0x0], $0xffff  }
0xf9: {  	v48 =	vadd.f32 v25, v41;
	v62 =	vld.idx.msk [tilespmem:v62+s17+$0x0], $0xffff  }
0xfa: {  	v11 =	vadd.f32 v15, v11;
	v15 =	vor.u32 $0x10, v1;
	v12 =	vld.idx.msk [tilespmem:v58+s17+$0x0], $0xffff;
	v40 =	vmul.f32 v52, v40  }
0xfb: {  	v48 =	vadd.f32 v26, v48;
	v38 =	vmul.f32 v53, v38;
	v53 =	vor.u32 $0x1A, v21;
	v57 =	vld.idx.msk [tilespmem:v19+s21+$0x0], $0xffff  }
0xfc: {  	v58 =	vor.u32 $0x1B, v21;
	v40 =	vadd.f32 $0.0e+00, v40;
	v19 =	vld [tilespmem:$0x1FC70]  }
0xfd: {  	v48 =	vadd.f32 v27, v48;
	v47 =	vld.idx.msk [tilespmem:v9+s21+$0x0], $0xffff;
	v9 =	vor.u32 $0x12, v21  }
0xfe: {  	v41 =	vld.idx.msk [tilespmem:v10+s21+$0x0], $0xffff;
	v38 =	vadd.f32 v38, v40;
	v40 =	vor.u32 $0x1C, v21;
	v37 =	vmul.f32 v54, v37  }
0xff: {  	v60 =	vor.u32 $0x19, v21;
	v46 =	vmul.f32 v46, v26;
	v48 =	vadd.f32 v28, v48;
	v15 =	vld.idx.msk [tilespmem:v15+s21+$0x0], $0xffff  }
0x100: {  	v4 =	vmul.f32 v4, v36;
	v52 =	vor.u32 $0x18, v21;
	v49 =	vld.idx.msk [tilespmem:v53+s17+$0x0], $0xffff;
	v37 =	vadd.f32 v37, v38  }
0x101: {  	v5 =	vmul.f32 v5, v32;
	v32 =	vor.u32 $0x1B, v1;
	v53 =	vld.idx.msk [tilespmem:v58+s17+$0x0], $0xffff;
	v58 =	vmul.f32 v50, v25  }
0x102: {  	v9 =	vld.idx.msk [tilespmem:v9+s17+$0x0], $0xffff;
	v4 =	vadd.f32 v4, v37;
	v37 =	vor.u32 $0x11, v1;
	v33 =	vmul.f32 v55, v33  }
0x103: {  	v10 =	vor.u32 $0x14, v21;
	v39 =	vmul.f32 v39, v29;
	v50 =	vld.idx.msk [tilespmem:v40+s17+$0x0], $0xffff;
	v40 =	vor.u32 $0x12, v1  }
0x104: {  	v11 =	vadd.f32 v58, v11;
	v58 =	vmul.f32 v44, v27;
	v4 =	vadd.f32 v33, v4;
	v51 =	vld.idx.msk [tilespmem:v19+s21+$0x0], $0xffff  }
0x105: {  	v54 =	vor.u32 $0x1D, v21;
	v55 =	vor.u32 $0x13, v1;
	v19 =	vmovc v16;
	v16 =	vadd.f32 v31, v48;
	v48 =	vld.idx.msk [tilespmem:v52+s17+$0x0], $0xffff  }
0x106: {  	v4 =	vadd.f32 v5, v4;
	v5 =	vmul.f32 v56, v30;
	v52 =	vld.idx.msk [tilespmem:v60+s17+$0x0], $0xffff;
	v60 =	vor.u32 $0x1E, v21  }
0x107: {  	v11 =	vadd.f32 v46, v11;
	v38 =	vmul.f32 v35, v29;
	v30 =	vld.idx.msk [tilespmem:v37+s21+$0x0], $0xffff;
	v37 =	vor.u32 $0x16, v1  }
0x108: {  	v10 =	vld.idx.msk [tilespmem:v10+s17+$0x0], $0xffff;
	v4 =	vadd.f32 v5, v4;
	v5 =	vmul.f32 v6, v22;
	v22 =	vor.u32 $0x18, v1  }
0x109: {  	v11 =	vadd.f32 v58, v11;
	v44 =	vld.idx.msk [tilespmem:v40+s21+$0x0], $0xffff;
	v56 =	vmul.f32 v43, v28;
	v43 =	vor.u32 $0x19, v1  }
0x10a: {  	v6 =	vld.idx.msk [tilespmem:v55+s21+$0x0], $0xffff;
	v4 =	vadd.f32 v5, v4;
	v5 =	vmul.f32 v57, v23;
	v21 =	vor.u32 $0x1F, v21  }
0x10b: {  	v58 =	vmul.f32 v42, v31;
	v40 =	vor.u32 $0x17, v1;
	v35 =	vld.idx.msk [tilespmem:v60+s17+$0x0], $0xffff;
	v60 =	vor.u32 $0x15, v1  }
0x10c: {  	v33 =	vor.u32 $0x1C, v1;
	v55 =	vld.idx.msk [tilespmem:v37+s21+$0x0], $0xffff;
	v4 =	vadd.f32 v5, v4;
	v5 =	vmul.f32 v7, v24  }
0x10d: {  	v11 =	vadd.f32 v56, v11;
	v56 =	vld.idx.msk [tilespmem:v22+s21+$0x0], $0xffff;
	v22 =	vadd.f32 v9, v20;
	v9 =	vor.u32 $0x211, v1  }
0x10e: {  	v2 =	vadd.f32 v38, v2;
	v4 =	vadd.f32 v5, v4;
	v5 =	vmul.f32 v13, v25;
	v13 =	vld.idx.msk [tilespmem:v43+s21+$0x0], $0xffff  }
0x10f: {  	v38 =	vor.u32 $0x1E, v1;
	v11 =	vadd.f32 v58, v11;
	v36 =	vld.idx.msk [tilespmem:v21+s17+$0x0], $0xffff;
	v21 =	vor.u32 $0x14, v1  }
0x110: {  	v58 =	vor.u32 $0x215, v1;
	v23 =	vadd.f32 v14, v20;
	v46 =	vld.idx.msk [tilespmem:v60+s21+$0x0], $0xffff;
	v60 =	vor.u32 $0x1A, v1  }
0x111: {  	v37 =	vor.u32 $0x1D, v1;
	v11 =	vadd.f32 v39, v11;
	v14 =	vor.u32 $0x213, v1;
	v43 =	vld.idx.msk [tilespmem:v33+s21+$0x0], $0xffff  }
0x112: {  	v57 =	vor.u32 $0x214, v1;
	v24 =	vadd.f32 v3, v20;
	v6 =	vmul.f32 v6, v23;
	v9 =	vld.idx.msk [tilespmem:v9+s21+$0x0], $0xffff  }
0x113: {  	v25 =	vadd.f32 v10, v20;
	v4 =	vadd.f32 v5, v4;
	v5 =	vmul.f32 v8, v26;
	v8 =	vld.idx.msk [tilespmem:v32+s21+$0x0], $0xffff  }
0x114: {  	v33 =	vor.u32 $0x217, v1;
	v32 =	vor.u32 $0x210, v1;
	v42 =	vld.idx.msk [tilespmem:v21+s21+$0x0], $0xffff;
	v21 =	vadd.f32 v59, v20  }
0x115: {  	v30 =	vmul.f32 v30, v24;
	v4 =	vadd.f32 v5, v4;
	v3 =	vld.idx.msk [tilespmem:v60+s21+$0x0], $0xffff;
	v60 =	vor.u32 $0x1F, v1  }
0x116: {  	v5 =	vmul.f32 v51, v27;
	v51 =	vor.u32 $0x212, v1;
	v15 =	vmul.f32 v15, v21  }
0x117: {  	v7 =	vld.idx.msk [tilespmem:v40+s21+$0x0], $0xffff;
	v16 =	vadd.f32 v29, v16;
	v29 =	vmul.f32 v41, v29;
	v26 =	vadd.f32 v62, v20  }
0x118: {  	v40 =	vld.idx.msk [tilespmem:v37+s21+$0x0], $0xffff;
	v41 =	vor.u32 $0x21E, v1;
	v27 =	vadd.f32 v12, v20;
	v15 =	vadd.f32 v15, v34  }
0x119: {  	v9 =	vmul.f32 v9, v24;
	v4 =	vadd.f32 v5, v4;
	v5 =	vmul.f32 v47, v28;
	v10 =	vld.idx.msk [tilespmem:v32+s21+$0x0], $0xffff  }
0x11a: {  	v47 =	vor.u32 $0x219, v1;
	v15 =	vadd.f32 v30, v15;
	v37 =	vld.idx.msk [tilespmem:v60+s21+$0x0], $0xffff;
	v60 =	vmul.f32 v44, v22  }
0x11b: {  	v28 =	vadd.f32 v63, v20;
	v4 =	vadd.f32 v5, v4;
	v5 =	vmul.f32 v45, v31;
	v45 =	vld.idx.msk [tilespmem:v51+s21+$0x0], $0xffff  }
0x11c: {  	v32 =	vor.u32 $0x21A, v1;
	v31 =	vor.u32 $0x21B, v1;
	v51 =	vld.idx.msk [tilespmem:v58+s21+$0x0], $0xffff;
	v15 =	vadd.f32 v60, v15  }
0x11d: {  	v7 =	vmul.f32 v7, v28;
	v59 =	vor.u32 $0x216, v1;
	v58 =	vld.idx.msk [tilespmem:v33+s21+$0x0], $0xffff;
	v33 =	vadd.f32 v48, v20  }
0x11e: {  	v54 =	vld.idx.msk [tilespmem:v54+s17+$0x0], $0xffff;
	v4 =	vadd.f32 v5, v4;
	v6 =	vadd.f32 v6, v15;
	v15 =	vmul.f32 v42, v25  }
0x11f: {  	v48 =	vor.u32 $0x21F, v1;
	v5 =	vld.idx.msk [tilespmem:v14+s21+$0x0], $0xffff;
	v14 =	vor.u32 $0x218, v1;
	v16 =	vadd.f32 v21, v16  }
0x120: {  	v39 =	vadd.f32 v29, v4;
	v6 =	vadd.f32 v15, v6;
	v15 =	vmul.f32 v46, v26  }
0x121: {  	v29 =	vadd.f32 v52, v20;
	v10 =	vmul.f32 v10, v21;
	v16 =	vadd.f32 v24, v16  }
0x122: {  	v12 =	vld.idx.msk [tilespmem:v57+s21+$0x0], $0xffff;
	v34 =	vor.u32 $0x21C, v1;
	v6 =	vadd.f32 v15, v6;
	v15 =	vmul.f32 v55, v27  }
0x123: {  	v52 =	vld.idx.msk [tilespmem:v31+s21+$0x0], $0xffff;
	v31 =	vadd.f32 v54, v20;
	v54 =	vor.u32 $0x415, v1;
	v2 =	vadd.f32 v10, v2  }
0x124: {  	v57 =	vld.idx.msk [tilespmem:v59+s21+$0x0], $0xffff;
	v59 =	vor.u32 $0x410, v1;
	v16 =	vadd.f32 v22, v16;
	v6 =	vadd.f32 v15, v6  }
0x125: {  	v30 =	vadd.f32 v53, v20;
	v2 =	vadd.f32 v9, v2;
	v9 =	vmul.f32 v45, v22;
	v44 =	vld.idx.msk [tilespmem:v47+s21+$0x0], $0xffff  }
0x126: {  	v53 =	vor.u32 $0x411, v1;
	v47 =	vld.idx.msk [tilespmem:v32+s21+$0x0], $0xffff;
	v6 =	vadd.f32 v7, v6;
	v7 =	vmul.f32 v56, v33  }
0x127: {  	v5 =	vmul.f32 v5, v23;
	v16 =	vadd.f32 v23, v16;
	v2 =	vadd.f32 v9, v2;
	v42 =	vld.idx.msk [tilespmem:v41+s21+$0x0], $0xffff  }
0x128: {  	v32 =	vadd.f32 v49, v20;
	v41 =	vld.idx.msk [tilespmem:v48+s21+$0x0], $0xffff;
	v6 =	vadd.f32 v7, v6;
	v7 =	vmul.f32 v13, v29  }
0x129: {  	v16 =	vadd.f32 v25, v16;
	v2 =	vadd.f32 v5, v2;
	v5 =	vmul.f32 v12, v25;
	v48 =	vld.idx.msk [tilespmem:v59+s21+$0x0], $0xffff  }
0x12a: {  	v49 =	vld.idx.msk [tilespmem:v34+s21+$0x0], $0xffff;
	v34 =	vadd.f32 v50, v20;
	v3 =	vmul.f32 v3, v32;
	v6 =	vadd.f32 v7, v6  }
0x12b: {  	v53 =	vld.idx.msk [tilespmem:v53+s21+$0x0], $0xffff;
	v16 =	vadd.f32 v26, v16;
	v2 =	vadd.f32 v5, v2;
	v5 =	vmul.f32 v51, v26  }
0x12c: {  	v38 =	vld.idx.msk [tilespmem:v38+s21+$0x0], $0xffff;
	v60 =	vor.u32 $0x412, v1;
	v3 =	vadd.f32 v3, v6;
	v6 =	vmul.f32 v8, v30  }
0x12d: {  	v14 =	vld.idx.msk [tilespmem:v14+s21+$0x0], $0xffff;
	v50 =	vor.u32 $0x413, v1;
	v16 =	vadd.f32 v27, v16;
	v2 =	vadd.f32 v5, v2  }
0x12e: {  	v54 =	vld.idx.msk [tilespmem:v54+s21+$0x0], $0xffff;
	v3 =	vadd.f32 v6, v3;
	v6 =	vmul.f32 v43, v34;
	v43 =	vmul.f32 v48, v21  }
0x12f: {  	v5 =	vmul.f32 v57, v27;
	v57 =	vld [tilespmem:$0x1FF60];
	v4 =	vadd.f32 v28, v16;
	v16 =	vor.u32 $0x21D, v1  }
0x130: {  	v3 =	vadd.f32 v6, v3;
	v6 =	vadd.f32 v43, v11;
	v11 =	vmul.f32 v53, v24;
	v53 =	vld [tilespmem:$0x1FF30]  }
0x131: {  	v46 =	vor.u32 $0x414, v1;
	v10 =	vld.idx.msk [tilespmem:v60+s21+$0x0], $0xffff  }
0x132: {  	v60 =	vld [tilespmem:$0x1FFC0];
	v55 =	vor.u32 $0x416, v1  }
0x133: {  	v2 =	vadd.f32 v5, v2;
	v5 =	vmul.f32 v58, v28;
	v58 =	vld [tilespmem:$0x1FF80]  }
0x134: {  	v15 =	vld.idx.msk [tilespmem:v50+s21+$0x0], $0xffff  }
0x135: {  	v16 =	vld.idx.msk [tilespmem:v16+s21+$0x0], $0xffff  }
0x136: {  	v59 =	vor.u32 $0x417, v1;
	v45 =	vld.idx.msk [tilespmem:v46+s21+$0x0], $0xffff  }
0x137: {  	v2 =	vadd.f32 v5, v2;
	v5 =	vmul.f32 v14, v33;
	v50 =	vor.u32 $0x418, v1;
	v9 =	vld.idx.msk [tilespmem:v55+s21+$0x0], $0xffff  }
0x138: {  	v46 =	vor.u32 $0x419, v1;
	v10 =	vmul.f32 v10, v22;
	v6 =	vadd.f32 v11, v6;
	v14 =	vld.idx.msk [tilespmem:v53+s21+$0x0], $0xffff  }
0x139: {  	v56 =	vor.u32 $0x41A, v1;
	v53 =	vld.idx.msk [tilespmem:v0+s21+$0x0], $0xffff  }
0x13a: {  	v61 =	vmovc v0;
	v55 =	vor.u32 $0x41B, v1;
	v6 =	vadd.f32 v10, v6;
	v10 =	vmul.f32 v15, v23;
	v0 =	vld [tilespmem:$0x1FCB0]  }
0x13b: {  	v13 =	vld.idx.msk [tilespmem:v59+s21+$0x0], $0xffff;
	v59 =	vor.u32 $0x41C, v1  }
0x13c: {  	v12 =	vld.idx.msk [tilespmem:v50+s21+$0x0], $0xffff;
	v6 =	vadd.f32 v10, v6;
	v10 =	vmul.f32 v45, v25  }
0x13d: {  	v7 =	vld.idx.msk [tilespmem:v46+s21+$0x0], $0xffff  }
0x13e: {  	v51 =	vld.idx.msk [tilespmem:v56+s21+$0x0], $0xffff;
	v6 =	vadd.f32 v10, v6;
	v10 =	vmul.f32 v54, v26  }
0x13f: {  	v35 =	vadd.f32 v35, v20;
	v20 =	vadd.f32 v36, v20;
	v8 =	vld.idx.msk [tilespmem:v55+s21+$0x0], $0xffff  }
0x140: {  	v50 =	vor.u32 $0x41D, v1;
	v9 =	vmul.f32 v9, v27;
	v36 =	vld.idx.msk [tilespmem:v59+s21+$0x0], $0xffff;
	v6 =	vadd.f32 v10, v6  }
0x141: {  	v56 =	vor.u32 $0x41F, v1;
	v59 =	vld [tilespmem:$0x1FFB0]  }
0x142: {  	v6 =	vadd.f32 v9, v6;
	v9 =	vld.idx.msk [tilespmem:v0+s21+$0x0], $0xffff  }
0x143: {  	v0 =	vld [tilespmem:$0x1FCC0]  }
0x144: {  	v55 =	vld [tilespmem:$0x1FF40]  }
0x145: {  	v48 =	vld.idx.msk [tilespmem:v50+s21+$0x0], $0xffff  }
0x146: {  	v40 =	vmul.f32 v40, v31;
	v43 =	vld.idx.msk [tilespmem:v56+s21+$0x0], $0xffff  }
0x147: {  	v56 =	vld [tilespmem:$0x1FF50]  }
0x148: {  	v2 =	vadd.f32 v5, v2;
	v5 =	vmul.f32 v44, v29;
	v3 =	vadd.f32 v40, v3;
	v40 =	vld.idx.msk [tilespmem:v58+s21+$0x0], $0xffff  }
0x149: {  	v4 =	vadd.f32 v33, v4;
	v50 =	vlaneseq.u32;
	v45 =	vld.idx.msk [tilespmem:v59+s21+$0x0], $0xffff  }
0x14a: {  	v2 =	vadd.f32 v5, v2;
	v5 =	vmul.f32 v47, v32;
	v59 =	vld [tilespmem:$0x1FF90]  }
0x14b: {  	v4 =	vadd.f32 v29, v4;
	v54 =	vld.idx.msk [tilespmem:v0+s21+$0x0], $0xffff  }
0x14c: {  	v2 =	vadd.f32 v5, v2;
	v5 =	vmul.f32 v52, v30;
	v0 =	vld [tilespmem:$0x1FCD0]  }
0x14d: {  	v4 =	vadd.f32 v32, v4;
	v58 =	vld [tilespmem:$0x1FFD0]  }
0x14e: {  	v38 =	vmul.f32 v38, v35;
	v2 =	vadd.f32 v5, v2;
	v5 =	vld.idx.msk [tilespmem:v50+s22+$0x0], $0xffff  }
0x14f: {  	v4 =	vadd.f32 v30, v4;
	v11 =	vld.idx.msk [tilespmem:v55+s21+$0x0], $0xffff  }
0x150: {  	v3 =	vadd.f32 v38, v3;
	v38 =	vld [tilespmem:$0x1FFA0]  }
0x151: {  	v4 =	vadd.f32 v34, v4;
	v44 =	vld.idx.msk [tilespmem:v56+s21+$0x0], $0xffff  }
0x152: {  	v47 =	vld.idx.msk [tilespmem:v59+s21+$0x0], $0xffff  }
0x153: {  	v46 =	vor.u32 $0x41E, v1;
	v4 =	vadd.f32 v31, v4;
	v59 =	vld [tilespmem:$0x1FFE0]  }
0x154: {  	v56 =	vld.idx.msk [tilespmem:v0+s21+$0x0], $0xffff  }
0x155: {  	v37 =	vmul.f32 v37, v20;
	v49 =	vmul.f32 v49, v34;
	v4 =	vadd.f32 v35, v4;
	v0 =	vld [tilespmem:$0x1FCE0]  }
0x156: {  	v16 =	vmul.f32 v16, v31;
	v14 =	vmul.f32 v14, v21  }
0x157: {  	v2 =	vadd.f32 v49, v2;
	v13 =	vmul.f32 v13, v28;
	v4 =	vadd.f32 v20, v4;
	v15 =	vld.idx.msk [tilespmem:v57+s21+$0x0], $0xffff  }
0x158: {  	v46 =	vld.idx.msk [tilespmem:v46+s21+$0x0], $0xffff;
	v55 =	vadd.s32 s30, v50;
	v11 =	vmul.f32 v11, v24;
	v14 =	vadd.f32 v14, v39  }
0x159: {  	v57 =	vor.u32 $0x10, v50;
	v3 =	vadd.f32 v37, v3;
	v5 =	vmul.f32 v5, v4;
	v10 =	vld.idx.msk [tilespmem:v60+s21+$0x0], $0xffff  }
0x15a: {  	v2 =	vadd.f32 v16, v2;
	v16 =	vld.idx.msk [tilespmem:v58+s21+$0x0], $0xffff;
	v11 =	vadd.f32 v11, v14;
	v14 =	vmul.f32 v44, v22  }
0x15b: {  	v12 =	vmul.f32 v12, v33;
	v3 =	vadd.f32 v5, v3;
	v52 =	vld.idx.msk [tilespmem:v38+s21+$0x0], $0xffff;
	v6 =	vadd.f32 v13, v6  }
0x15c: {  	v13 =	vmul.f32 v42, v35;
	v11 =	vadd.f32 v14, v11;
	v14 =	vmul.f32 v15, v23;
	v15 =	vld.idx.msk [tilespmem:v59+s21+$0x0], $0xffff  }
0x15d: {  	v5 =	vld.idx.msk [tilespmem:v0+s21+$0x0], $0xffff;
	[tilespmem:v55+s25+$0x0] =	vst.idx.msk $0xffff, v3;
	v3 =	vadd.f32 v12, v6;
	v6 =	vmul.f32 v7, v29  }
0x15e: {  	v2 =	vadd.f32 v13, v2;
	v7 =	vadd.f32 v14, v11;
	v11 =	vmul.f32 v40, v25;
	v12 =	vld.idx.msk [tilespmem:v57+s22+$0x0], $0xffff  }
0x15f: {  	v13 =	vmul.f32 v51, v32;
	v3 =	vadd.f32 v6, v3;
	v6 =	vmul.f32 v41, v20  }
0x160: {  	v7 =	vadd.f32 v11, v7;
	v11 =	vmul.f32 v45, v26  }
0x161: {  	v2 =	vadd.f32 v6, v2;
	v3 =	vadd.f32 v13, v3  }
0x162: {  	v6 =	vadd.f32 v11, v7;
	v7 =	vmul.f32 v8, v30;
	v8 =	vadd.s32 s30, v57  }
0x163: {  	v11 =	vmul.f32 v47, v27;
	v13 =	vor.u32 $0x20, v50;
	v12 =	vmul.f32 v12, v4  }
0x164: {  	v3 =	vadd.f32 v7, v3;
	v7 =	vmul.f32 v36, v34  }
0x165: {  	v6 =	vadd.f32 v11, v6;
	v11 =	vmul.f32 v52, v28;
	v2 =	vadd.f32 v12, v2  }
0x166: {  	v62 =	vmov v17;
	v17 =	vld [tilespmem:$0x1FE70];
	v3 =	vadd.f32 v7, v3;
	v7 =	vmul.f32 v48, v31  }
0x167: {  	v63 =	vmov v18;
	v18 =	vld [tilespmem:$0x1FEA0];
	[tilespmem:v8+s25+$0x0] =	vst.idx.msk $0xffff, v2;
	v2 =	vadd.f32 v11, v6;
	v6 =	vmul.f32 v10, v33  }
0x168: {  	v3 =	vadd.f32 v7, v3;
	v7 =	vmul.f32 v46, v35;
	v8 =	vld.idx.msk [tilespmem:v13+s22+$0x0], $0xffff  }
0x169: {  	v37 =	vld [tilespmem:$0x1FF10];
	v2 =	vadd.f32 v6, v2;
	v6 =	vmul.f32 v53, v29  }
0x16a: {  	v60 =	vld [tilespmem:$0x1FFF0];
	v3 =	vadd.f32 v7, v3;
	v7 =	vmul.f32 v43, v20  }
0x16b: {  	v38 =	vld [tilespmem:$0x1FEE0];
	v2 =	vadd.f32 v6, v2;
	v6 =	vmul.f32 v9, v32  }
0x16c: {  	v14 =	vld [tilespmem:$0x1FF70];
	v3 =	vadd.f32 v7, v3;
	v7 =	vadd.s32 s30, v13  }
0x16d: {  	v40 =	vld [tilespmem:$0x1FEF0];
	v2 =	vadd.f32 v6, v2;
	v6 =	vmul.f32 v54, v30;
	v8 =	vmul.f32 v8, v4  }
0x16e: {  	v0 =	vld [tilespmem:$0x1FF00]  }
0x16f: {  	v36 =	vld [tilespmem:$0x1FEC0];
	v2 =	vadd.f32 v6, v2;
	v6 =	vmul.f32 v56, v34;
	v3 =	vadd.f32 v8, v3  }
0x170: {  	v12 =	vld [tilespmem:$0x1FE40]  }
0x171: {  	v10 =	vld [tilespmem:$0x1FE90];
	[tilespmem:v7+s25+$0x0] =	vst.idx.msk $0xffff, v3;
	v2 =	vadd.f32 v6, v2;
	v3 =	vmul.f32 v16, v31  }
0x172: {  	v6 =	vld.idx.msk [tilespmem:v60+s22+$0x0], $0xffff  }
0x173: {  	v11 =	vld [tilespmem:$0x1FE30];
	v2 =	vadd.f32 v3, v2;
	v3 =	vmul.f32 v5, v35  }
0x174: {  	v13 =	vld [tilespmem:$0x1FE80]  }
0x175: {  	v9 =	vld [tilespmem:$0x1FE20];
	v5 =	vor.u32 $0x30, v50;
	v2 =	vadd.f32 v3, v2;
	v3 =	vmul.f32 v15, v20  }
0x176: {  	p0 =	sne.s32 s31, $0x7F;
	v8 =	vld [tilespmem:$0x1FE60];
	v5 =	vadd.s32 s30, v5  }
.Ltmp0:
0x177: {  	v16 =	vmov v19;
	v19 =	vld [tilespmem:$0x1FEB0];
	v2 =	vadd.f32 v3, v2;
	v3 =	vmul.f32 v6, v4;
	(pc) =	sbr.rel @p0 .LBB2_2-.Ltmp0, $4  }
0x178: {  	v7 =	vld [tilespmem:$0x1FE50]  }
0x179: {  	v15 =	vld [tilespmem:$0x1FED0];
	v2 =	vadd.f32 v3, v2  }
0x17a: {  	v6 =	vld [tilespmem:$0x1FE10]  }
0x17b: {  	s31 =	sadd.s32 $0x1, s31;
	s29 =	sadd.s32 $0x38, s29;
	s30 =	sadd.s32 $0x32, s30;
	[tilespmem:v5+s25+$0x0] =	vst.idx.msk $0x3, v2;
	v5 =	vld [tilespmem:$0x1FF20]  }
0x17c: {  	s29 =	simm.s32 $0x0;
	v21 =	vld [tilespmem:$0x6578]  }
0x17d: {  	v23 =	vld [tilespmem:s29+$0x4C78];
	_ =	sdelay $0x1  }
0x17e: {  	v22 =	vld [tilespmem:s29+$0x3378];
	_ =	sdelay $0x1  }
0x17f: {  	v20 =	vimm.f32 $0.0e+00;
	s30 =	simm.s32 $0x40;
	s31 =	simm.s32 $0x80  }
.LBB2_4:
0x180: {  	p0 =	sne.s32 s31, $0x63C0;
	v2 =	vadd.f32 v21, v23;
	_ =	sdelay $0x1  }
0x181: {  	[tilespmem:s29+$0x4C78] =	vst v2;
	v2 =	vsub.f32 v2, v22  }
0x182: {  	s29 =	sshra.s32 s30, $0x2;
	s30 =	smov.u32 s31;
	v21 =	vld [tilespmem:$0x6578]  }
.Ltmp1:
0x183: {  	v23 =	vld [tilespmem:s29+$0x4C78];
	v2 =	vmul.f32 v2, v2;
	(pc) =	sbr.rel @p0 .LBB2_4-.Ltmp1, $3  }
0x184: {  	v22 =	vld [tilespmem:s29+$0x3378]  }
0x185: {  	v20 =	vadd.f32 v2, v20;
	_ =	sdelay $0x1  }
0x186: {  	s31 =	sadd.s32 $0x40, s31  }
0x187: {  	v2 =	vadd.f32 v21, v23;
	_ =	sdelay $0x1  }
0x188: {  	[tilespmem:s29+$0x4C78] =	vst v2  }
0x189: {  	s31 =	sshra.s32 s30, $0x2;
	v3 =	vld [tilespmem:$0x6578]  }
0x18a: {  	v4 =	vld [tilespmem:s31+$0x4C78];
	_ =	sdelay $0x1  }
0x18b: {  	v5 =	vld [tilespmem:s31+$0x3378];
	_ =	sdelay $0x2  }
0x18c: {  	v2 =	vsub.f32 v2, v22;
	v3 =	vadd.f32 v3, v4;
	_ =	sdelay $0x1  }
0x18d: {  	v2 =	vmul.f32 v2, v2;
	v4 =	vsub.f32 v3, v5;
	_ =	sdelay $0x1  }
0x18e: {  	v2 =	vadd.f32 v2, v20;
	v4 =	vmul.f32 v4, v4;
	_ =	sdelay $0x1  }
0x18f: {  	v2 =	vadd.f32 v4, v2;
	_ =	sdelay $0x1  }
0x190: {  	v2 =	vmul.f32 $4.882812390e-06, v2  }
0x191: {  	[tilespmem:s31+$0x4C78] =	vst v3  }
0x192: {  	[tilespmem:$0x6588] =	vst v2  }
0x193: {  	[hbm4b:s11+s5] =	stream.linear.scatter [tilespmem:s25], [sflag:$0x4], $0x1900, $0x38;
	[tilespmem:$0x6598] =	vst v63  }
0x194: {  	s28 =	sadd.s32 $0x1, s28;
	_ =	swait.ge [sflag:s14], $0x1900  }
0x195: {  	p0 =	sne.s32 s28, s13;
	[sflag:s14] =	ssyncset.done $0x0  }
.Ltmp2:
0x196: {  	[sflag:s14] =	ssyncadd.s32 $0xFFFFE700;
	(pc) =	sbr.rel @p0 .LBB2_1-.Ltmp2, $4  }
0x197: {  	[hbm4b:s12+s5] =	stream.linear.scatter [tilespmem:s26], [sflag:$0x4], $0x10, $0x38;
	[tilespmem:$0x6598] =	vst v63  }
0x198: {  	_ =	swait.ge [sflag:s14], $0x10  }
0x199: {  	[sflag:s14] =	ssyncset.done $0x0  }
0x19a: {  	v5 =	vld [tilespmem:$0x1FF20];
	[sflag:s14] =	ssyncadd.s32 $0xFFFFFFF0  }
0x19b: {  	_ =	sfence.sel $0x180000  }
0x19c: {  	[bflag:$0x0] =	sbarrier.arrive $0xFFFF  }
0x19d: {  	p0 =	sne.s32 s3, $0x0;
	_ =	strace $0x90000047  }
0x19e: {  	s0 =	sadd.s32 @!p0 $0x100000, s4;
	[bflag:$0x2] =	sbarrier.arrive $0xFFFF  }
0x19f: {  	[sflag:s0] =	ssyncadd.tile.s32 @!p0 $0x1;
	_ =	shalt  }
.Lfunc_end2:
_tile_overlayer_lowered:
.L_overlay_start_2:
0x1a0: {  	(tag) =	ssettag $0x2  }
0x1a1: {  	s0 =	rddreg [dreg:$0x0];
	s2 =	stileid.u32  }
0x1a2: {  	s1 =	rddreg [dreg:$0x1];
	p0 =	sne.s32 s2, $0x0  }
0x1a3: {  	s3 =	rddreg [dreg:$0x2];
	[bflag:$0x3] =	sbarrier.arrive $0xFFFF;
	s2 =	simm.s32 @!p0 $0x1C04  }
0x1a4: {  	[timem:s3], [sflag:s2] =	dma.local @!p0 [hbm:s0], s1  }
0x1a5: {  	s0 =	simm.s32 @!p0 $0x4  }
0x1a6: {  	_ =	swait.ge @!p0 [sflag:s0], s1  }
0x1a7: {  	s1 =	ssub.s32 @!p0 $0x0, s1;
	[sflag:s0] =	ssyncset.done @!p0 $0x0  }
0x1a8: {  	[sflag:s0] =	ssyncadd.s32 @!p0 s1  }
0x1a9: {  	[bflag:$0x3] =	sbarrier.arrive $0xFFFF  }
0x1aa: {  	_ =	shalt  }

</sc_bundles>
